<compile_context>
chip_gen: v7x
topology: tpu7x:2x2x1
jax: 0.10.2.dev20260603
libtpu: 0.0.44.dev20260713+nightly
codegen_flags: <defaults>
</compile_context>

<pallas_src>
import functools

import jax
import jax.numpy as jnp
from jax import lax
from jax.experimental import pallas as pl
from jax.experimental.pallas import tpu as pltpu
from jax.experimental.pallas import tpu_sc as plsc

B, P, C, D = 64, 1024, 14, 768
K = 16
L = 16
NW = 32
BATCHES_PER_W = B // NW
NCHUNK = P // L


def _sim_body(lbl_ref, lf_ref, proto_ref, out_ref):
    p = proto_ref[0, 0, :]
    pn = p / (jnp.sqrt(jnp.sum(p * p)) + 1e-8)
    pb = pn.astype(jnp.bfloat16).astype(jnp.float32)
    x = lf_ref[0]
    nrm = jnp.sqrt(jnp.sum(x * x, axis=1)) + 1e-8
    xb = (x / nrm[:, None]).astype(jnp.bfloat16).astype(jnp.float32)
    out_ref[0, 0, :] = jnp.sum(xb * pb[None, :], axis=1)


def _similarity(local_features, prototypes, labels):
    grid_spec = pltpu.PrefetchScalarGridSpec(
        num_scalar_prefetch=1,
        grid=(B,),
        in_specs=[
            pl.BlockSpec((1, P, D), lambda b, lbl: (b, 0, 0)),
            pl.BlockSpec((1, 1, D), lambda b, lbl: (b * C + lbl[b], 0, 0)),
        ],
        out_specs=pl.BlockSpec((1, 1, P), lambda b, lbl: (b, 0, 0)),
    )
    proto_flat = prototypes.reshape(B * C, 1, D)
    sim3 = pl.pallas_call(
        _sim_body,
        grid_spec=grid_spec,
        out_shape=jax.ShapeDtypeStruct((B, 1, P), jnp.float32),
    )(labels, local_features, proto_flat)
    return sim3.reshape(B, P)


def _merge_top(run_k, run_v, cand_k, cand_v):
    rb_k = lax.rev(cand_k, (0,))
    rb_v = lax.rev(cand_v, (0,))
    keep = run_k >= rb_k
    mk = jnp.where(keep, run_k, rb_k)
    mv = jnp.where(keep, run_v, rb_v)
    return plsc.sort_key_val(mk, mv)


def _merge_bot(run_k, run_v, cand_k, cand_v):
    rb_k = lax.rev(cand_k, (0,))
    rb_v = lax.rev(cand_v, (0,))
    keep = run_k <= rb_k
    mk = jnp.where(keep, run_k, rb_k)
    mv = jnp.where(keep, run_v, rb_v)
    return plsc.sort_key_val(mk, mv)


def _select_body(sim_hbm, lf_hbm, tf_hbm, bf_hbm, ti_hbm, bi_hbm,
                 sim_v, ti_v, bi_v, gt_v, gb_v, tr_v, br_v, sem0, sem1):
    wid = lax.axis_index("s") * 2 + lax.axis_index("c")
    base_iota = lax.iota(jnp.int32, L)
    for j in range(BATCHES_PER_W):
        b = wid * BATCHES_PER_W + j
        pltpu.sync_copy(sim_hbm.at[b], sim_v)

        def chunk_step(c, carry):
            tk, tv, bk, bv = carry
            chunk = sim_v[pl.ds(c * L, L)]
            cidx = base_iota + c * L
            sk, sv = plsc.sort_key_val(chunk, cidx)
            tk, tv = _merge_top(tk, tv, sk, sv)
            bk, bv = _merge_bot(bk, bv, sk, sv)
            return tk, tv, bk, bv

        init = (
            jnp.full((L,), -2.0, jnp.float32), jnp.zeros((L,), jnp.int32),
            jnp.full((L,), 2.0, jnp.float32), jnp.zeros((L,), jnp.int32),
        )
        _, tv, _, bv = lax.fori_loop(0, NCHUNK, chunk_step, init)

        top_idx = lax.rev(tv, (0,))
        bot_idx = bv
        ti_v[...] = top_idx
        bi_v[...] = bot_idx
        gt_v[...] = top_idx + b * P
        gb_v[...] = bot_idx + b * P
        cp_t = pltpu.async_copy(lf_hbm.at[gt_v], tr_v, sem0)
        cp_b = pltpu.async_copy(lf_hbm.at[gb_v], br_v, sem1)
        pltpu.sync_copy(ti_v, ti_hbm.at[b])
        pltpu.sync_copy(bi_v, bi_hbm.at[b])
        cp_t.wait()
        cp_b.wait()
        pltpu.sync_copy(tr_v, tf_hbm.at[b])
        pltpu.sync_copy(br_v, bf_hbm.at[b])


def _select(sim, lf_flat):
    mesh = plsc.VectorSubcoreMesh(core_axis_name="c", subcore_axis_name="s")
    out_type = (
        jax.ShapeDtypeStruct((B, K, D), jnp.float32),
        jax.ShapeDtypeStruct((B, K, D), jnp.float32),
        jax.ShapeDtypeStruct((B, K), jnp.int32),
        jax.ShapeDtypeStruct((B, K), jnp.int32),
    )
    scratch = [
        pltpu.VMEM((P,), jnp.float32),
        pltpu.VMEM((K,), jnp.int32),
        pltpu.VMEM((K,), jnp.int32),
        pltpu.VMEM((K,), jnp.int32),
        pltpu.VMEM((K,), jnp.int32),
        pltpu.VMEM((K, D), jnp.float32),
        pltpu.VMEM((K, D), jnp.float32),
        pltpu.SemaphoreType.DMA,
        pltpu.SemaphoreType.DMA,
    ]
    run = pl.kernel(_select_body, out_type=out_type, mesh=mesh,
                    scratch_types=scratch,
                    compiler_params=pltpu.CompilerParams(
                        needs_layout_passes=False))
    return run(sim, lf_flat)


def kernel(local_features, prototypes, labels):
    sim = _similarity(local_features, prototypes, labels)
    lf_flat = local_features.reshape(B * P, D)
    top_feat, bot_feat, top_idx, bot_idx = _select(sim, lf_flat)
    return (top_feat, bot_feat, top_idx, bot_idx)

# --- scband reference (transcript-rebuilt; emitter-appended) ---
"""Pipeline reference for scband-lesion-region-selector-87729001988407 (READ-ONLY COPY).

The authoritative reference and input builder live on the scoring server;
editing this copy changes nothing except your own understanding.
"""

import jax, jax.numpy as jnp
import numpy as np

TOP_K = 16
BOTTOM_K = 16


def setup_inputs(seed: int = 0) -> dict:
    key = jax.random.key(seed)
    k1, k2, k3 = jax.random.split(key, 3)
    local_features = jax.random.normal(k1, (64, 1024, 768), dtype=jnp.float32)
    prototypes = jax.random.normal(k2, (64, 14, 768), dtype=jnp.float32)
    labels = jax.random.randint(k3, (64,), 0, 14)
    return {"local_features": local_features, "prototypes": prototypes, "labels": labels}


def reference(local_features, prototypes, labels):
    # normalize_before_sim=True, similarity_metric='cosine'
    local_norm = local_features / (jnp.linalg.norm(local_features, axis=-1, keepdims=True) + 1e-08)
    proto_norm = prototypes / (jnp.linalg.norm(prototypes, axis=-1, keepdims=True) + 1e-08)
    # bmm: [B, P, d] x [B, d, C] -> [B, P, C]
    sim = jnp.einsum('bpd,bcd->bpc', local_norm, proto_norm)
    # gather GT-class similarity: [B, P]
    idx = jnp.broadcast_to(labels[:, None, None], (sim.shape[0], sim.shape[1], 1))
    sim_gt = jnp.take_along_axis(sim, idx, axis=2)[..., 0]
    top_k = min(TOP_K, sim_gt.shape[-1])
    bottom_k = min(BOTTOM_K, sim_gt.shape[-1])
    _, top_k_indices = jax.lax.top_k(sim_gt, top_k)
    _, bottom_k_indices = jax.lax.top_k(-sim_gt, bottom_k)
    top_k_features = jnp.take_along_axis(local_features, top_k_indices[:, :, None], axis=1)
    bottom_k_features = jnp.take_along_axis(local_features, bottom_k_indices[:, :, None], axis=1)
    return (top_k_features, bottom_k_features, top_k_indices, bottom_k_indices)

if __name__ == "__main__":
    import jax
    _d = setup_inputs()
    print(jax.jit(kernel)(*tuple(_d.values())))

</pallas_src>

<mosaic_0001>
#map = affine_map<(d0, d1) -> (0, 0)>
#map1 = affine_map<(d0, d1) -> (0, 0, 0)>
module attributes {stable_mosaic.version = 14 : i64} {
  func.func @_select_body(%arg0: i32, %arg1: i32, %arg2: memref<64x1024xf32, #tpu.memory_space<hbm>>, %arg3: memref<65536x768xf32, #tpu.memory_space<hbm>>, %arg4: memref<64x16x768xf32, #tpu.memory_space<hbm>>, %arg5: memref<64x16x768xf32, #tpu.memory_space<hbm>>, %arg6: memref<64x16xi32, #tpu.memory_space<hbm>>, %arg7: memref<64x16xi32, #tpu.memory_space<hbm>>, %arg8: memref<1024xf32, #tpu.memory_space<vmem>>, %arg9: memref<16xi32, #tpu.memory_space<vmem>>, %arg10: memref<16xi32, #tpu.memory_space<vmem>>, %arg11: memref<16xi32, #tpu.memory_space<vmem>>, %arg12: memref<16xi32, #tpu.memory_space<vmem>>, %arg13: memref<16x768xf32, #tpu.memory_space<vmem>>, %arg14: memref<16x768xf32, #tpu.memory_space<vmem>>, %arg15: memref<!tpu.dma_semaphore, #tpu.memory_space<semaphore_mem>>, %arg16: memref<!tpu.dma_semaphore, #tpu.memory_space<semaphore_mem>>) attributes {dimension_semantics = [#tpu.dimension_semantics<core_parallel>, #tpu.dimension_semantics<subcore_parallel>], iteration_bounds = array<i64: 2, 16>, scalar_prefetch = 0 : i64, scratch_operands = 9 : i64, tpu.core_type = #tpu.core_type<sc_vector_subcore>, window_params = [{transform_indices = #map}, {transform_indices = #map}, {transform_indices = #map1}, {transform_indices = #map1}, {transform_indices = #map}, {transform_indices = #map}]} {
    %mul3A = arith.constant 2 : i32
    %mul3A_0 = arith.muli %arg1, %mul3A : i32
    %add3A = arith.addi %mul3A_0, %arg0 : i32
    %iota3A = tpu.iota {dimensions = array<i32: 0>} : vector<16xi32>
    %mul3A_1 = arith.constant 2 : i32
    %mul3A_2 = arith.muli %add3A, %mul3A_1 : i32
    %add3A_3 = arith.constant 0 : i32
    %add3A_4 = arith.addi %mul3A_2, %add3A_3 : i32
    "tpu.region"() ({
      %run_scoped3A = tpu.sem_alloc : memref<!tpu.dma_semaphore, #tpu.memory_space<semaphore_mem>>
      %dma_start3A_97 = arith.constant 0 : i32
      %dma_start3A_98 = tpu.memref_slice %arg2[%add3A_4, %dma_start3A_97] : memref<64x1024xf32, #tpu.memory_space<hbm>> -> memref<1x1024xf32, #tpu.memory_space<hbm>>
      %dma_start3A_99 = tpu.memref_squeeze %dma_start3A_98 : memref<1x1024xf32, #tpu.memory_space<hbm>> -> memref<1024xf32, #tpu.memory_space<hbm>>
      %dma_start3A_100 = arith.constant 0 : i32
      %dma_start3A_101 = tpu.memref_slice %arg2[%add3A_4, %dma_start3A_100] : memref<64x1024xf32, #tpu.memory_space<hbm>> -> memref<1x1024xf32, #tpu.memory_space<hbm>>
      %dma_start3A_102 = tpu.memref_squeeze %dma_start3A_101 : memref<1x1024xf32, #tpu.memory_space<hbm>> -> memref<1024xf32, #tpu.memory_space<hbm>>
      tpu.enqueue_dma source(%dma_start3A_102 : memref<1024xf32, #tpu.memory_space<hbm>>) target(%arg8 : memref<1024xf32, #tpu.memory_space<vmem>>) target_semaphore(%run_scoped3A : memref<!tpu.dma_semaphore, #tpu.memory_space<semaphore_mem>>)
      %dma_wait3A_103 = arith.constant 0 : i32
      %dma_wait3A_104 = tpu.memref_slice %arg2[%add3A_4, %dma_wait3A_103] : memref<64x1024xf32, #tpu.memory_space<hbm>> -> memref<1x1024xf32, #tpu.memory_space<hbm>>
      %dma_wait3A_105 = tpu.memref_squeeze %dma_wait3A_104 : memref<1x1024xf32, #tpu.memory_space<hbm>> -> memref<1024xf32, #tpu.memory_space<hbm>>
      %dma_wait3A_106 = arith.constant 0 : i32
      %dma_wait3A_107 = tpu.memref_slice %arg2[%add3A_4, %dma_wait3A_106] : memref<64x1024xf32, #tpu.memory_space<hbm>> -> memref<1x1024xf32, #tpu.memory_space<hbm>>
      %dma_wait3A_108 = tpu.memref_squeeze %dma_wait3A_107 : memref<1x1024xf32, #tpu.memory_space<hbm>> -> memref<1024xf32, #tpu.memory_space<hbm>>
      tpu.wait_dma2 semaphore(%run_scoped3A : memref<!tpu.dma_semaphore, #tpu.memory_space<semaphore_mem>>) src(%dma_wait3A_108 : memref<1024xf32, #tpu.memory_space<hbm>>) dst(%arg8 : memref<1024xf32, #tpu.memory_space<vmem>>)
      tpu.yield
    }) : () -> ()
    %broadcast_in_dim3A = arith.constant -2.000000e+00 : f32
    %broadcast_in_dim3A_5 = vector.broadcast %broadcast_in_dim3A : f32 to vector<16xf32>
    %broadcast_in_dim3A_6 = arith.constant 0 : i32
    %broadcast_in_dim3A_7 = vector.broadcast %broadcast_in_dim3A_6 : i32 to vector<16xi32>
    %broadcast_in_dim3A_8 = arith.constant 2.000000e+00 : f32
    %broadcast_in_dim3A_9 = vector.broadcast %broadcast_in_dim3A_8 : f32 to vector<16xf32>
    %broadcast_in_dim3A_10 = arith.constant 0 : i32
    %broadcast_in_dim3A_11 = vector.broadcast %broadcast_in_dim3A_10 : i32 to vector<16xi32>
    %scan3A = arith.constant 0 : i32
    %scan3A_12 = arith.constant 64 : i32
    %scan3A_13 = arith.addi %scan3A, %scan3A_12 : i32
    %scan3A_14 = arith.constant 1 : i32
    %scan3A_15:4 = scf.for %scan3A_97 = %scan3A to %scan3A_13 step %scan3A_14 iter_args(%scan3A_98 = %broadcast_in_dim3A_5, %scan3A_99 = %broadcast_in_dim3A_7, %scan3A_100 = %broadcast_in_dim3A_9, %scan3A_101 = %broadcast_in_dim3A_11) -> (vector<16xf32>, vector<16xi32>, vector<16xf32>, vector<16xi32>)  : i32 {
      %mul3A_102 = arith.constant 16 : i32
      %mul3A_103 = arith.muli %scan3A_97, %mul3A_102 : i32
      %get3A = arith.index_cast %mul3A_103 : i32 to index
      %get3A_104 = tpu.vector_load %arg8[%get3A] {strides = array<i32>} : memref<1024xf32, #tpu.memory_space<vmem>>, vector<16xf32>,
      %mul3A_105 = arith.constant 16 : i32
      %mul3A_106 = arith.muli %scan3A_97, %mul3A_105 : i32
      %add3A_107 = vector.broadcast %mul3A_106 : i32 to vector<16xi32>
      %add3A_108 = arith.addi %iota3A, %add3A_107 : vector<16xi32>
      %masked_sort3A = arith.constant dense<true> : vector<16xi1>
      %masked_sort3A_109, %masked_sort3A_110, %masked_sort3A_111 = tpu.sort %get3A_104, %add3A_108 masked %masked_sort3A : (vector<16xf32>, vector<16xi32>, vector<16xi1>) -> (vector<16xi1>, vector<16xf32>, vector<16xi32>)
      %rev3A_112 = arith.constant 15 : i32
      %rev3A_113 = vector.broadcast %rev3A_112 : i32 to vector<16xi32>
      %rev3A_114 = tpu.iota {dimensions = array<i32: 0>} : vector<16xi32>
      %rev3A_115 = arith.subi %rev3A_113, %rev3A_114 : vector<16xi32>
      %rev3A_116 = tpu.dynamic_gather %masked_sort3A_110[%rev3A_115] in [0] : vector<16xf32>, vector<16xi32> -> vector<16xf32>
      %rev3A_117 = arith.constant 15 : i32
      %rev3A_118 = vector.broadcast %rev3A_117 : i32 to vector<16xi32>
      %rev3A_119 = tpu.iota {dimensions = array<i32: 0>} : vector<16xi32>
      %rev3A_120 = arith.subi %rev3A_118, %rev3A_119 : vector<16xi32>
      %rev3A_121 = tpu.dynamic_gather %masked_sort3A_111[%rev3A_120] in [0] : vector<16xi32>, vector<16xi32> -> vector<16xi32>
      %ge3A = arith.cmpf oge, %scan3A_98, %rev3A_116 : vector<16xf32>
      %select_n3A = arith.select %ge3A, %scan3A_98, %rev3A_116 : vector<16xi1>, vector<16xf32>
      %select_n3A_122 = arith.select %ge3A, %scan3A_99, %rev3A_121 : vector<16xi1>, vector<16xi32>
      %masked_sort3A_123 = arith.constant dense<true> : vector<16xi1>
      %masked_sort3A_124, %masked_sort3A_125, %masked_sort3A_126 = tpu.sort %select_n3A, %select_n3A_122 masked %masked_sort3A_123 : (vector<16xf32>, vector<16xi32>, vector<16xi1>) -> (vector<16xi1>, vector<16xf32>, vector<16xi32>)
      %rev3A_127 = arith.constant 15 : i32
      %rev3A_128 = vector.broadcast %rev3A_127 : i32 to vector<16xi32>
      %rev3A_129 = tpu.iota {dimensions = array<i32: 0>} : vector<16xi32>
      %rev3A_130 = arith.subi %rev3A_128, %rev3A_129 : vector<16xi32>
      %rev3A_131 = tpu.dynamic_gather %masked_sort3A_110[%rev3A_130] in [0] : vector<16xf32>, vector<16xi32> -> vector<16xf32>
      %rev3A_132 = arith.constant 15 : i32
      %rev3A_133 = vector.broadcast %rev3A_132 : i32 to vector<16xi32>
      %rev3A_134 = tpu.iota {dimensions = array<i32: 0>} : vector<16xi32>
      %rev3A_135 = arith.subi %rev3A_133, %rev3A_134 : vector<16xi32>
      %rev3A_136 = tpu.dynamic_gather %masked_sort3A_111[%rev3A_135] in [0] : vector<16xi32>, vector<16xi32> -> vector<16xi32>
      %le3A = arith.cmpf ole, %scan3A_100, %rev3A_131 : vector<16xf32>
      %select_n3A_137 = arith.select %le3A, %scan3A_100, %rev3A_131 : vector<16xi1>, vector<16xf32>
      %select_n3A_138 = arith.select %le3A, %scan3A_101, %rev3A_136 : vector<16xi1>, vector<16xi32>
      %masked_sort3A_139 = arith.constant dense<true> : vector<16xi1>
      %masked_sort3A_140, %masked_sort3A_141, %masked_sort3A_142 = tpu.sort %select_n3A_137, %select_n3A_138 masked %masked_sort3A_139 : (vector<16xf32>, vector<16xi32>, vector<16xi1>) -> (vector<16xi1>, vector<16xf32>, vector<16xi32>)
      scf.yield %masked_sort3A_125, %masked_sort3A_126, %masked_sort3A_141, %masked_sort3A_142 : vector<16xf32>, vector<16xi32>, vector<16xf32>, vector<16xi32>
    }
    %scan3A_16 = arith.constant 64 : i32
    %rev3A = arith.constant 15 : i32
    %rev3A_17 = vector.broadcast %rev3A : i32 to vector<16xi32>
    %rev3A_18 = tpu.iota {dimensions = array<i32: 0>} : vector<16xi32>
    %rev3A_19 = arith.subi %rev3A_17, %rev3A_18 : vector<16xi32>
    %rev3A_20 = tpu.dynamic_gather %scan3A_15#1[%rev3A_19] in [0] : vector<16xi32>, vector<16xi32> -> vector<16xi32>
    %swap3A = arith.constant 0 : index
    %swap3A_21 = tpu.vector_load %arg9[%swap3A] {strides = array<i32>} : memref<16xi32, #tpu.memory_space<vmem>>, vector<16xi32>,
    tpu.vector_store %arg9[%swap3A], %rev3A_20 {strides = array<i32>} : memref<16xi32, #tpu.memory_space<vmem>>, vector<16xi32>,
    %swap3A_22 = arith.constant 0 : index
    %swap3A_23 = tpu.vector_load %arg10[%swap3A_22] {strides = array<i32>} : memref<16xi32, #tpu.memory_space<vmem>>, vector<16xi32>,
    tpu.vector_store %arg10[%swap3A_22], %scan3A_15#3 {strides = array<i32>} : memref<16xi32, #tpu.memory_space<vmem>>, vector<16xi32>,
    %mul3A_24 = arith.constant 1024 : i32
    %mul3A_25 = arith.muli %add3A_4, %mul3A_24 : i32
    %add3A_26 = vector.broadcast %mul3A_25 : i32 to vector<16xi32>
    %add3A_27 = arith.addi %rev3A_20, %add3A_26 : vector<16xi32>
    %swap3A_28 = arith.constant 0 : index
    %swap3A_29 = tpu.vector_load %arg11[%swap3A_28] {strides = array<i32>} : memref<16xi32, #tpu.memory_space<vmem>>, vector<16xi32>,
    tpu.vector_store %arg11[%swap3A_28], %add3A_27 {strides = array<i32>} : memref<16xi32, #tpu.memory_space<vmem>>, vector<16xi32>,
    %mul3A_30 = arith.constant 1024 : i32
    %mul3A_31 = arith.muli %add3A_4, %mul3A_30 : i32
    %add3A_32 = vector.broadcast %mul3A_31 : i32 to vector<16xi32>
    %add3A_33 = arith.addi %scan3A_15#3, %add3A_32 : vector<16xi32>
    %swap3A_34 = arith.constant 0 : index
    %swap3A_35 = tpu.vector_load %arg12[%swap3A_34] {strides = array<i32>} : memref<16xi32, #tpu.memory_space<vmem>>, vector<16xi32>,
    tpu.vector_store %arg12[%swap3A_34], %add3A_33 {strides = array<i32>} : memref<16xi32, #tpu.memory_space<vmem>>, vector<16xi32>,
    %dma_start3A = arith.constant 0 : i32
    %dma_start3A_36 = arith.constant 0 : i32
    %dma_start3A_37 = tpu.memref_slice %arg3[%dma_start3A, %dma_start3A_36] : memref<65536x768xf32, #tpu.memory_space<hbm>> -> memref<65536x768xf32, #tpu.memory_space<hbm>>
    tpu.enqueue_indirect_dma source(%dma_start3A_37 : memref<65536x768xf32, #tpu.memory_space<hbm>>) target(%arg13 : memref<16x768xf32, #tpu.memory_space<vmem>>) offsets(%arg11 : memref<16xi32, #tpu.memory_space<vmem>>) semaphore(%arg15 : memref<!tpu.dma_semaphore, #tpu.memory_space<semaphore_mem>>)
    %dma_start3A_38 = arith.constant 0 : i32
    %dma_start3A_39 = arith.constant 0 : i32
    %dma_start3A_40 = tpu.memref_slice %arg3[%dma_start3A_38, %dma_start3A_39] : memref<65536x768xf32, #tpu.memory_space<hbm>> -> memref<65536x768xf32, #tpu.memory_space<hbm>>
    tpu.enqueue_indirect_dma source(%dma_start3A_40 : memref<65536x768xf32, #tpu.memory_space<hbm>>) target(%arg14 : memref<16x768xf32, #tpu.memory_space<vmem>>) offsets(%arg12 : memref<16xi32, #tpu.memory_space<vmem>>) semaphore(%arg16 : memref<!tpu.dma_semaphore, #tpu.memory_space<semaphore_mem>>)
    "tpu.region"() ({
      %run_scoped3A = tpu.sem_alloc : memref<!tpu.dma_semaphore, #tpu.memory_space<semaphore_mem>>
      %dma_start3A_97 = arith.constant 0 : i32
      %dma_start3A_98 = tpu.memref_slice %arg6[%add3A_4, %dma_start3A_97] : memref<64x16xi32, #tpu.memory_space<hbm>> -> memref<1x16xi32, #tpu.memory_space<hbm>>
      %dma_start3A_99 = tpu.memref_squeeze %dma_start3A_98 : memref<1x16xi32, #tpu.memory_space<hbm>> -> memref<16xi32, #tpu.memory_space<hbm>>
      %dma_start3A_100 = arith.constant 0 : i32
      %dma_start3A_101 = tpu.memref_slice %arg6[%add3A_4, %dma_start3A_100] : memref<64x16xi32, #tpu.memory_space<hbm>> -> memref<1x16xi32, #tpu.memory_space<hbm>>
      %dma_start3A_102 = tpu.memref_squeeze %dma_start3A_101 : memref<1x16xi32, #tpu.memory_space<hbm>> -> memref<16xi32, #tpu.memory_space<hbm>>
      tpu.enqueue_dma source(%arg9 : memref<16xi32, #tpu.memory_space<vmem>>) target(%dma_start3A_102 : memref<16xi32, #tpu.memory_space<hbm>>) target_semaphore(%run_scoped3A : memref<!tpu.dma_semaphore, #tpu.memory_space<semaphore_mem>>)
      %dma_wait3A_103 = arith.constant 0 : i32
      %dma_wait3A_104 = tpu.memref_slice %arg6[%add3A_4, %dma_wait3A_103] : memref<64x16xi32, #tpu.memory_space<hbm>> -> memref<1x16xi32, #tpu.memory_space<hbm>>
      %dma_wait3A_105 = tpu.memref_squeeze %dma_wait3A_104 : memref<1x16xi32, #tpu.memory_space<hbm>> -> memref<16xi32, #tpu.memory_space<hbm>>
      %dma_wait3A_106 = arith.constant 0 : i32
      %dma_wait3A_107 = tpu.memref_slice %arg6[%add3A_4, %dma_wait3A_106] : memref<64x16xi32, #tpu.memory_space<hbm>> -> memref<1x16xi32, #tpu.memory_space<hbm>>
      %dma_wait3A_108 = tpu.memref_squeeze %dma_wait3A_107 : memref<1x16xi32, #tpu.memory_space<hbm>> -> memref<16xi32, #tpu.memory_space<hbm>>
      tpu.wait_dma2 semaphore(%run_scoped3A : memref<!tpu.dma_semaphore, #tpu.memory_space<semaphore_mem>>) src(%arg9 : memref<16xi32, #tpu.memory_space<vmem>>) dst(%dma_wait3A_108 : memref<16xi32, #tpu.memory_space<hbm>>)
      tpu.yield
    }) : () -> ()
    "tpu.region"() ({
      %run_scoped3A = tpu.sem_alloc : memref<!tpu.dma_semaphore, #tpu.memory_space<semaphore_mem>>
      %dma_start3A_97 = arith.constant 0 : i32
      %dma_start3A_98 = tpu.memref_slice %arg7[%add3A_4, %dma_start3A_97] : memref<64x16xi32, #tpu.memory_space<hbm>> -> memref<1x16xi32, #tpu.memory_space<hbm>>
      %dma_start3A_99 = tpu.memref_squeeze %dma_start3A_98 : memref<1x16xi32, #tpu.memory_space<hbm>> -> memref<16xi32, #tpu.memory_space<hbm>>
      %dma_start3A_100 = arith.constant 0 : i32
      %dma_start3A_101 = tpu.memref_slice %arg7[%add3A_4, %dma_start3A_100] : memref<64x16xi32, #tpu.memory_space<hbm>> -> memref<1x16xi32, #tpu.memory_space<hbm>>
      %dma_start3A_102 = tpu.memref_squeeze %dma_start3A_101 : memref<1x16xi32, #tpu.memory_space<hbm>> -> memref<16xi32, #tpu.memory_space<hbm>>
      tpu.enqueue_dma source(%arg10 : memref<16xi32, #tpu.memory_space<vmem>>) target(%dma_start3A_102 : memref<16xi32, #tpu.memory_space<hbm>>) target_semaphore(%run_scoped3A : memref<!tpu.dma_semaphore, #tpu.memory_space<semaphore_mem>>)
      %dma_wait3A_103 = arith.constant 0 : i32
      %dma_wait3A_104 = tpu.memref_slice %arg7[%add3A_4, %dma_wait3A_103] : memref<64x16xi32, #tpu.memory_space<hbm>> -> memref<1x16xi32, #tpu.memory_space<hbm>>
      %dma_wait3A_105 = tpu.memref_squeeze %dma_wait3A_104 : memref<1x16xi32, #tpu.memory_space<hbm>> -> memref<16xi32, #tpu.memory_space<hbm>>
      %dma_wait3A_106 = arith.constant 0 : i32
      %dma_wait3A_107 = tpu.memref_slice %arg7[%add3A_4, %dma_wait3A_106] : memref<64x16xi32, #tpu.memory_space<hbm>> -> memref<1x16xi32, #tpu.memory_space<hbm>>
      %dma_wait3A_108 = tpu.memref_squeeze %dma_wait3A_107 : memref<1x16xi32, #tpu.memory_space<hbm>> -> memref<16xi32, #tpu.memory_space<hbm>>
      tpu.wait_dma2 semaphore(%run_scoped3A : memref<!tpu.dma_semaphore, #tpu.memory_space<semaphore_mem>>) src(%arg10 : memref<16xi32, #tpu.memory_space<vmem>>) dst(%dma_wait3A_108 : memref<16xi32, #tpu.memory_space<hbm>>)
      tpu.yield
    }) : () -> ()
    %dma_wait3A = arith.constant 0 : i32
    %dma_wait3A_41 = arith.constant 0 : i32
    %dma_wait3A_42 = tpu.memref_slice %arg3[%dma_wait3A, %dma_wait3A_41] : memref<65536x768xf32, #tpu.memory_space<hbm>> -> memref<65536x768xf32, #tpu.memory_space<hbm>>
    tpu.wait_indirect_dma semaphore(%arg15 : memref<!tpu.dma_semaphore, #tpu.memory_space<semaphore_mem>>) src(%dma_wait3A_42 : memref<65536x768xf32, #tpu.memory_space<hbm>>) dst(%arg13 : memref<16x768xf32, #tpu.memory_space<vmem>>)
    %dma_wait3A_43 = arith.constant 0 : i32
    %dma_wait3A_44 = arith.constant 0 : i32
    %dma_wait3A_45 = tpu.memref_slice %arg3[%dma_wait3A_43, %dma_wait3A_44] : memref<65536x768xf32, #tpu.memory_space<hbm>> -> memref<65536x768xf32, #tpu.memory_space<hbm>>
    tpu.wait_indirect_dma semaphore(%arg16 : memref<!tpu.dma_semaphore, #tpu.memory_space<semaphore_mem>>) src(%dma_wait3A_45 : memref<65536x768xf32, #tpu.memory_space<hbm>>) dst(%arg14 : memref<16x768xf32, #tpu.memory_space<vmem>>)
    "tpu.region"() ({
      %run_scoped3A = tpu.sem_alloc : memref<!tpu.dma_semaphore, #tpu.memory_space<semaphore_mem>>
      %dma_start3A_97 = arith.constant 0 : i32
      %dma_start3A_98 = arith.constant 0 : i32
      %dma_start3A_99 = tpu.memref_slice %arg4[%add3A_4, %dma_start3A_97, %dma_start3A_98] : memref<64x16x768xf32, #tpu.memory_space<hbm>> -> memref<1x16x768xf32, #tpu.memory_space<hbm>>
      %dma_start3A_100 = tpu.memref_squeeze %dma_start3A_99 : memref<1x16x768xf32, #tpu.memory_space<hbm>> -> memref<16x768xf32, #tpu.memory_space<hbm>>
      %dma_start3A_101 = arith.constant 0 : i32
      %dma_start3A_102 = arith.constant 0 : i32
      %dma_start3A_103 = tpu.memref_slice %arg4[%add3A_4, %dma_start3A_101, %dma_start3A_102] : memref<64x16x768xf32, #tpu.memory_space<hbm>> -> memref<1x16x768xf32, #tpu.memory_space<hbm>>
      %dma_start3A_104 = tpu.memref_squeeze %dma_start3A_103 : memref<1x16x768xf32, #tpu.memory_space<hbm>> -> memref<16x768xf32, #tpu.memory_space<hbm>>
      tpu.enqueue_dma source(%arg13 : memref<16x768xf32, #tpu.memory_space<vmem>>) target(%dma_start3A_104 : memref<16x768xf32, #tpu.memory_space<hbm>>) target_semaphore(%run_scoped3A : memref<!tpu.dma_semaphore, #tpu.memory_space<semaphore_mem>>)
      %dma_wait3A_105 = arith.constant 0 : i32
      %dma_wait3A_106 = arith.constant 0 : i32
      %dma_wait3A_107 = tpu.memref_slice %arg4[%add3A_4, %dma_wait3A_105, %dma_wait3A_106] : memref<64x16x768xf32, #tpu.memory_space<hbm>> -> memref<1x16x768xf32, #tpu.memory_space<hbm>>
      %dma_wait3A_108 = tpu.memref_squeeze %dma_wait3A_107 : memref<1x16x768xf32, #tpu.memory_space<hbm>> -> memref<16x768xf32, #tpu.memory_space<hbm>>
      %dma_wait3A_109 = arith.constant 0 : i32
      %dma_wait3A_110 = arith.constant 0 : i32
      %dma_wait3A_111 = tpu.memref_slice %arg4[%add3A_4, %dma_wait3A_109, %dma_wait3A_110] : memref<64x16x768xf32, #tpu.memory_space<hbm>> -> memref<1x16x768xf32, #tpu.memory_space<hbm>>
      %dma_wait3A_112 = tpu.memref_squeeze %dma_wait3A_111 : memref<1x16x768xf32, #tpu.memory_space<hbm>> -> memref<16x768xf32, #tpu.memory_space<hbm>>
      tpu.wait_dma2 semaphore(%run_scoped3A : memref<!tpu.dma_semaphore, #tpu.memory_space<semaphore_mem>>) src(%arg13 : memref<16x768xf32, #tpu.memory_space<vmem>>) dst(%dma_wait3A_112 : memref<16x768xf32, #tpu.memory_space<hbm>>)
      tpu.yield
    }) : () -> ()
    "tpu.region"() ({
      %run_scoped3A = tpu.sem_alloc : memref<!tpu.dma_semaphore, #tpu.memory_space<semaphore_mem>>
      %dma_start3A_97 = arith.constant 0 : i32
      %dma_start3A_98 = arith.constant 0 : i32
      %dma_start3A_99 = tpu.memref_slice %arg5[%add3A_4, %dma_start3A_97, %dma_start3A_98] : memref<64x16x768xf32, #tpu.memory_space<hbm>> -> memref<1x16x768xf32, #tpu.memory_space<hbm>>
      %dma_start3A_100 = tpu.memref_squeeze %dma_start3A_99 : memref<1x16x768xf32, #tpu.memory_space<hbm>> -> memref<16x768xf32, #tpu.memory_space<hbm>>
      %dma_start3A_101 = arith.constant 0 : i32
      %dma_start3A_102 = arith.constant 0 : i32
      %dma_start3A_103 = tpu.memref_slice %arg5[%add3A_4, %dma_start3A_101, %dma_start3A_102] : memref<64x16x768xf32, #tpu.memory_space<hbm>> -> memref<1x16x768xf32, #tpu.memory_space<hbm>>
      %dma_start3A_104 = tpu.memref_squeeze %dma_start3A_103 : memref<1x16x768xf32, #tpu.memory_space<hbm>> -> memref<16x768xf32, #tpu.memory_space<hbm>>
      tpu.enqueue_dma source(%arg14 : memref<16x768xf32, #tpu.memory_space<vmem>>) target(%dma_start3A_104 : memref<16x768xf32, #tpu.memory_space<hbm>>) target_semaphore(%run_scoped3A : memref<!tpu.dma_semaphore, #tpu.memory_space<semaphore_mem>>)
      %dma_wait3A_105 = arith.constant 0 : i32
      %dma_wait3A_106 = arith.constant 0 : i32
      %dma_wait3A_107 = tpu.memref_slice %arg5[%add3A_4, %dma_wait3A_105, %dma_wait3A_106] : memref<64x16x768xf32, #tpu.memory_space<hbm>> -> memref<1x16x768xf32, #tpu.memory_space<hbm>>
      %dma_wait3A_108 = tpu.memref_squeeze %dma_wait3A_107 : memref<1x16x768xf32, #tpu.memory_space<hbm>> -> memref<16x768xf32, #tpu.memory_space<hbm>>
      %dma_wait3A_109 = arith.constant 0 : i32
      %dma_wait3A_110 = arith.constant 0 : i32
      %dma_wait3A_111 = tpu.memref_slice %arg5[%add3A_4, %dma_wait3A_109, %dma_wait3A_110] : memref<64x16x768xf32, #tpu.memory_space<hbm>> -> memref<1x16x768xf32, #tpu.memory_space<hbm>>
      %dma_wait3A_112 = tpu.memref_squeeze %dma_wait3A_111 : memref<1x16x768xf32, #tpu.memory_space<hbm>> -> memref<16x768xf32, #tpu.memory_space<hbm>>
      tpu.wait_dma2 semaphore(%run_scoped3A : memref<!tpu.dma_semaphore, #tpu.memory_space<semaphore_mem>>) src(%arg14 : memref<16x768xf32, #tpu.memory_space<vmem>>) dst(%dma_wait3A_112 : memref<16x768xf32, #tpu.memory_space<hbm>>)
      tpu.yield
    }) : () -> ()
    %mul3A_46 = arith.constant 2 : i32
    %mul3A_47 = arith.muli %add3A, %mul3A_46 : i32
    %add3A_48 = arith.constant 1 : i32
    %add3A_49 = arith.addi %mul3A_47, %add3A_48 : i32
    "tpu.region"() ({
      %run_scoped3A = tpu.sem_alloc : memref<!tpu.dma_semaphore, #tpu.memory_space<semaphore_mem>>
      %dma_start3A_97 = arith.constant 0 : i32
      %dma_start3A_98 = tpu.memref_slice %arg2[%add3A_49, %dma_start3A_97] : memref<64x1024xf32, #tpu.memory_space<hbm>> -> memref<1x1024xf32, #tpu.memory_space<hbm>>
      %dma_start3A_99 = tpu.memref_squeeze %dma_start3A_98 : memref<1x1024xf32, #tpu.memory_space<hbm>> -> memref<1024xf32, #tpu.memory_space<hbm>>
      %dma_start3A_100 = arith.constant 0 : i32
      %dma_start3A_101 = tpu.memref_slice %arg2[%add3A_49, %dma_start3A_100] : memref<64x1024xf32, #tpu.memory_space<hbm>> -> memref<1x1024xf32, #tpu.memory_space<hbm>>
      %dma_start3A_102 = tpu.memref_squeeze %dma_start3A_101 : memref<1x1024xf32, #tpu.memory_space<hbm>> -> memref<1024xf32, #tpu.memory_space<hbm>>
      tpu.enqueue_dma source(%dma_start3A_102 : memref<1024xf32, #tpu.memory_space<hbm>>) target(%arg8 : memref<1024xf32, #tpu.memory_space<vmem>>) target_semaphore(%run_scoped3A : memref<!tpu.dma_semaphore, #tpu.memory_space<semaphore_mem>>)
      %dma_wait3A_103 = arith.constant 0 : i32
      %dma_wait3A_104 = tpu.memref_slice %arg2[%add3A_49, %dma_wait3A_103] : memref<64x1024xf32, #tpu.memory_space<hbm>> -> memref<1x1024xf32, #tpu.memory_space<hbm>>
      %dma_wait3A_105 = tpu.memref_squeeze %dma_wait3A_104 : memref<1x1024xf32, #tpu.memory_space<hbm>> -> memref<1024xf32, #tpu.memory_space<hbm>>
      %dma_wait3A_106 = arith.constant 0 : i32
      %dma_wait3A_107 = tpu.memref_slice %arg2[%add3A_49, %dma_wait3A_106] : memref<64x1024xf32, #tpu.memory_space<hbm>> -> memref<1x1024xf32, #tpu.memory_space<hbm>>
      %dma_wait3A_108 = tpu.memref_squeeze %dma_wait3A_107 : memref<1x1024xf32, #tpu.memory_space<hbm>> -> memref<1024xf32, #tpu.memory_space<hbm>>
      tpu.wait_dma2 semaphore(%run_scoped3A : memref<!tpu.dma_semaphore, #tpu.memory_space<semaphore_mem>>) src(%dma_wait3A_108 : memref<1024xf32, #tpu.memory_space<hbm>>) dst(%arg8 : memref<1024xf32, #tpu.memory_space<vmem>>)
      tpu.yield
    }) : () -> ()
    %broadcast_in_dim3A_50 = arith.constant -2.000000e+00 : f32
    %broadcast_in_dim3A_51 = vector.broadcast %broadcast_in_dim3A_50 : f32 to vector<16xf32>
    %broadcast_in_dim3A_52 = arith.constant 0 : i32
    %broadcast_in_dim3A_53 = vector.broadcast %broadcast_in_dim3A_52 : i32 to vector<16xi32>
    %broadcast_in_dim3A_54 = arith.constant 2.000000e+00 : f32
    %broadcast_in_dim3A_55 = vector.broadcast %broadcast_in_dim3A_54 : f32 to vector<16xf32>
    %broadcast_in_dim3A_56 = arith.constant 0 : i32
    %broadcast_in_dim3A_57 = vector.broadcast %broadcast_in_dim3A_56 : i32 to vector<16xi32>
    %scan3A_58 = arith.constant 0 : i32
    %scan3A_59 = arith.constant 64 : i32
    %scan3A_60 = arith.addi %scan3A_58, %scan3A_59 : i32
    %scan3A_61 = arith.constant 1 : i32
    %scan3A_62:4 = scf.for %scan3A_97 = %scan3A_58 to %scan3A_60 step %scan3A_61 iter_args(%scan3A_98 = %broadcast_in_dim3A_51, %scan3A_99 = %broadcast_in_dim3A_53, %scan3A_100 = %broadcast_in_dim3A_55, %scan3A_101 = %broadcast_in_dim3A_57) -> (vector<16xf32>, vector<16xi32>, vector<16xf32>, vector<16xi32>)  : i32 {
      %mul3A_102 = arith.constant 16 : i32
      %mul3A_103 = arith.muli %scan3A_97, %mul3A_102 : i32
      %get3A = arith.index_cast %mul3A_103 : i32 to index
      %get3A_104 = tpu.vector_load %arg8[%get3A] {strides = array<i32>} : memref<1024xf32, #tpu.memory_space<vmem>>, vector<16xf32>,
      %mul3A_105 = arith.constant 16 : i32
      %mul3A_106 = arith.muli %scan3A_97, %mul3A_105 : i32
      %add3A_107 = vector.broadcast %mul3A_106 : i32 to vector<16xi32>
      %add3A_108 = arith.addi %iota3A, %add3A_107 : vector<16xi32>
      %masked_sort3A = arith.constant dense<true> : vector<16xi1>
      %masked_sort3A_109, %masked_sort3A_110, %masked_sort3A_111 = tpu.sort %get3A_104, %add3A_108 masked %masked_sort3A : (vector<16xf32>, vector<16xi32>, vector<16xi1>) -> (vector<16xi1>, vector<16xf32>, vector<16xi32>)
      %rev3A_112 = arith.constant 15 : i32
      %rev3A_113 = vector.broadcast %rev3A_112 : i32 to vector<16xi32>
      %rev3A_114 = tpu.iota {dimensions = array<i32: 0>} : vector<16xi32>
      %rev3A_115 = arith.subi %rev3A_113, %rev3A_114 : vector<16xi32>
      %rev3A_116 = tpu.dynamic_gather %masked_sort3A_110[%rev3A_115] in [0] : vector<16xf32>, vector<16xi32> -> vector<16xf32>
      %rev3A_117 = arith.constant 15 : i32
      %rev3A_118 = vector.broadcast %rev3A_117 : i32 to vector<16xi32>
      %rev3A_119 = tpu.iota {dimensions = array<i32: 0>} : vector<16xi32>
      %rev3A_120 = arith.subi %rev3A_118, %rev3A_119 : vector<16xi32>
      %rev3A_121 = tpu.dynamic_gather %masked_sort3A_111[%rev3A_120] in [0] : vector<16xi32>, vector<16xi32> -> vector<16xi32>
      %ge3A = arith.cmpf oge, %scan3A_98, %rev3A_116 : vector<16xf32>
      %select_n3A = arith.select %ge3A, %scan3A_98, %rev3A_116 : vector<16xi1>, vector<16xf32>
      %select_n3A_122 = arith.select %ge3A, %scan3A_99, %rev3A_121 : vector<16xi1>, vector<16xi32>
      %masked_sort3A_123 = arith.constant dense<true> : vector<16xi1>
      %masked_sort3A_124, %masked_sort3A_125, %masked_sort3A_126 = tpu.sort %select_n3A, %select_n3A_122 masked %masked_sort3A_123 : (vector<16xf32>, vector<16xi32>, vector<16xi1>) -> (vector<16xi1>, vector<16xf32>, vector<16xi32>)
      %rev3A_127 = arith.constant 15 : i32
      %rev3A_128 = vector.broadcast %rev3A_127 : i32 to vector<16xi32>
      %rev3A_129 = tpu.iota {dimensions = array<i32: 0>} : vector<16xi32>
      %rev3A_130 = arith.subi %rev3A_128, %rev3A_129 : vector<16xi32>
      %rev3A_131 = tpu.dynamic_gather %masked_sort3A_110[%rev3A_130] in [0] : vector<16xf32>, vector<16xi32> -> vector<16xf32>
      %rev3A_132 = arith.constant 15 : i32
      %rev3A_133 = vector.broadcast %rev3A_132 : i32 to vector<16xi32>
      %rev3A_134 = tpu.iota {dimensions = array<i32: 0>} : vector<16xi32>
      %rev3A_135 = arith.subi %rev3A_133, %rev3A_134 : vector<16xi32>
      %rev3A_136 = tpu.dynamic_gather %masked_sort3A_111[%rev3A_135] in [0] : vector<16xi32>, vector<16xi32> -> vector<16xi32>
      %le3A = arith.cmpf ole, %scan3A_100, %rev3A_131 : vector<16xf32>
      %select_n3A_137 = arith.select %le3A, %scan3A_100, %rev3A_131 : vector<16xi1>, vector<16xf32>
      %select_n3A_138 = arith.select %le3A, %scan3A_101, %rev3A_136 : vector<16xi1>, vector<16xi32>
      %masked_sort3A_139 = arith.constant dense<true> : vector<16xi1>
      %masked_sort3A_140, %masked_sort3A_141, %masked_sort3A_142 = tpu.sort %select_n3A_137, %select_n3A_138 masked %masked_sort3A_139 : (vector<16xf32>, vector<16xi32>, vector<16xi1>) -> (vector<16xi1>, vector<16xf32>, vector<16xi32>)
      scf.yield %masked_sort3A_125, %masked_sort3A_126, %masked_sort3A_141, %masked_sort3A_142 : vector<16xf32>, vector<16xi32>, vector<16xf32>, vector<16xi32>
    }
    %scan3A_63 = arith.constant 64 : i32
    %rev3A_64 = arith.constant 15 : i32
    %rev3A_65 = vector.broadcast %rev3A_64 : i32 to vector<16xi32>
    %rev3A_66 = tpu.iota {dimensions = array<i32: 0>} : vector<16xi32>
    %rev3A_67 = arith.subi %rev3A_65, %rev3A_66 : vector<16xi32>
    %rev3A_68 = tpu.dynamic_gather %scan3A_62#1[%rev3A_67] in [0] : vector<16xi32>, vector<16xi32> -> vector<16xi32>
    %swap3A_69 = arith.constant 0 : index
    %swap3A_70 = tpu.vector_load %arg9[%swap3A_69] {strides = array<i32>} : memref<16xi32, #tpu.memory_space<vmem>>, vector<16xi32>,
    tpu.vector_store %arg9[%swap3A_69], %rev3A_68 {strides = array<i32>} : memref<16xi32, #tpu.memory_space<vmem>>, vector<16xi32>,
    %swap3A_71 = arith.constant 0 : index
    %swap3A_72 = tpu.vector_load %arg10[%swap3A_71] {strides = array<i32>} : memref<16xi32, #tpu.memory_space<vmem>>, vector<16xi32>,
    tpu.vector_store %arg10[%swap3A_71], %scan3A_62#3 {strides = array<i32>} : memref<16xi32, #tpu.memory_space<vmem>>, vector<16xi32>,
    %mul3A_73 = arith.constant 1024 : i32
    %mul3A_74 = arith.muli %add3A_49, %mul3A_73 : i32
    %add3A_75 = vector.broadcast %mul3A_74 : i32 to vector<16xi32>
    %add3A_76 = arith.addi %rev3A_68, %add3A_75 : vector<16xi32>
    %swap3A_77 = arith.constant 0 : index
    %swap3A_78 = tpu.vector_load %arg11[%swap3A_77] {strides = array<i32>} : memref<16xi32, #tpu.memory_space<vmem>>, vector<16xi32>,
    tpu.vector_store %arg11[%swap3A_77], %add3A_76 {strides = array<i32>} : memref<16xi32, #tpu.memory_space<vmem>>, vector<16xi32>,
    %mul3A_79 = arith.constant 1024 : i32
    %mul3A_80 = arith.muli %add3A_49, %mul3A_79 : i32
    %add3A_81 = vector.broadcast %mul3A_80 : i32 to vector<16xi32>
    %add3A_82 = arith.addi %scan3A_62#3, %add3A_81 : vector<16xi32>
    %swap3A_83 = arith.constant 0 : index
    %swap3A_84 = tpu.vector_load %arg12[%swap3A_83] {strides = array<i32>} : memref<16xi32, #tpu.memory_space<vmem>>, vector<16xi32>,
    tpu.vector_store %arg12[%swap3A_83], %add3A_82 {strides = array<i32>} : memref<16xi32, #tpu.memory_space<vmem>>, vector<16xi32>,
    %dma_start3A_85 = arith.constant 0 : i32
    %dma_start3A_86 = arith.constant 0 : i32
    %dma_start3A_87 = tpu.memref_slice %arg3[%dma_start3A_85, %dma_start3A_86] : memref<65536x768xf32, #tpu.memory_space<hbm>> -> memref<65536x768xf32, #tpu.memory_space<hbm>>
    tpu.enqueue_indirect_dma source(%dma_start3A_87 : memref<65536x768xf32, #tpu.memory_space<hbm>>) target(%arg13 : memref<16x768xf32, #tpu.memory_space<vmem>>) offsets(%arg11 : memref<16xi32, #tpu.memory_space<vmem>>) semaphore(%arg15 : memref<!tpu.dma_semaphore, #tpu.memory_space<semaphore_mem>>)
    %dma_start3A_88 = arith.constant 0 : i32
    %dma_start3A_89 = arith.constant 0 : i32
    %dma_start3A_90 = tpu.memref_slice %arg3[%dma_start3A_88, %dma_start3A_89] : memref<65536x768xf32, #tpu.memory_space<hbm>> -> memref<65536x768xf32, #tpu.memory_space<hbm>>
    tpu.enqueue_indirect_dma source(%dma_start3A_90 : memref<65536x768xf32, #tpu.memory_space<hbm>>) target(%arg14 : memref<16x768xf32, #tpu.memory_space<vmem>>) offsets(%arg12 : memref<16xi32, #tpu.memory_space<vmem>>) semaphore(%arg16 : memref<!tpu.dma_semaphore, #tpu.memory_space<semaphore_mem>>)
    "tpu.region"() ({
      %run_scoped3A = tpu.sem_alloc : memref<!tpu.dma_semaphore, #tpu.memory_space<semaphore_mem>>
      %dma_start3A_97 = arith.constant 0 : i32
      %dma_start3A_98 = tpu.memref_slice %arg6[%add3A_49, %dma_start3A_97] : memref<64x16xi32, #tpu.memory_space<hbm>> -> memref<1x16xi32, #tpu.memory_space<hbm>>
      %dma_start3A_99 = tpu.memref_squeeze %dma_start3A_98 : memref<1x16xi32, #tpu.memory_space<hbm>> -> memref<16xi32, #tpu.memory_space<hbm>>
      %dma_start3A_100 = arith.constant 0 : i32
      %dma_start3A_101 = tpu.memref_slice %arg6[%add3A_49, %dma_start3A_100] : memref<64x16xi32, #tpu.memory_space<hbm>> -> memref<1x16xi32, #tpu.memory_space<hbm>>
      %dma_start3A_102 = tpu.memref_squeeze %dma_start3A_101 : memref<1x16xi32, #tpu.memory_space<hbm>> -> memref<16xi32, #tpu.memory_space<hbm>>
      tpu.enqueue_dma source(%arg9 : memref<16xi32, #tpu.memory_space<vmem>>) target(%dma_start3A_102 : memref<16xi32, #tpu.memory_space<hbm>>) target_semaphore(%run_scoped3A : memref<!tpu.dma_semaphore, #tpu.memory_space<semaphore_mem>>)
      %dma_wait3A_103 = arith.constant 0 : i32
      %dma_wait3A_104 = tpu.memref_slice %arg6[%add3A_49, %dma_wait3A_103] : memref<64x16xi32, #tpu.memory_space<hbm>> -> memref<1x16xi32, #tpu.memory_space<hbm>>
      %dma_wait3A_105 = tpu.memref_squeeze %dma_wait3A_104 : memref<1x16xi32, #tpu.memory_space<hbm>> -> memref<16xi32, #tpu.memory_space<hbm>>
      %dma_wait3A_106 = arith.constant 0 : i32
      %dma_wait3A_107 = tpu.memref_slice %arg6[%add3A_49, %dma_wait3A_106] : memref<64x16xi32, #tpu.memory_space<hbm>> -> memref<1x16xi32, #tpu.memory_space<hbm>>
      %dma_wait3A_108 = tpu.memref_squeeze %dma_wait3A_107 : memref<1x16xi32, #tpu.memory_space<hbm>> -> memref<16xi32, #tpu.memory_space<hbm>>
      tpu.wait_dma2 semaphore(%run_scoped3A : memref<!tpu.dma_semaphore, #tpu.memory_space<semaphore_mem>>) src(%arg9 : memref<16xi32, #tpu.memory_space<vmem>>) dst(%dma_wait3A_108 : memref<16xi32, #tpu.memory_space<hbm>>)
      tpu.yield
    }) : () -> ()
    "tpu.region"() ({
      %run_scoped3A = tpu.sem_alloc : memref<!tpu.dma_semaphore, #tpu.memory_space<semaphore_mem>>
      %dma_start3A_97 = arith.constant 0 : i32
      %dma_start3A_98 = tpu.memref_slice %arg7[%add3A_49, %dma_start3A_97] : memref<64x16xi32, #tpu.memory_space<hbm>> -> memref<1x16xi32, #tpu.memory_space<hbm>>
      %dma_start3A_99 = tpu.memref_squeeze %dma_start3A_98 : memref<1x16xi32, #tpu.memory_space<hbm>> -> memref<16xi32, #tpu.memory_space<hbm>>
      %dma_start3A_100 = arith.constant 0 : i32
      %dma_start3A_101 = tpu.memref_slice %arg7[%add3A_49, %dma_start3A_100] : memref<64x16xi32, #tpu.memory_space<hbm>> -> memref<1x16xi32, #tpu.memory_space<hbm>>
      %dma_start3A_102 = tpu.memref_squeeze %dma_start3A_101 : memref<1x16xi32, #tpu.memory_space<hbm>> -> memref<16xi32, #tpu.memory_space<hbm>>
      tpu.enqueue_dma source(%arg10 : memref<16xi32, #tpu.memory_space<vmem>>) target(%dma_start3A_102 : memref<16xi32, #tpu.memory_space<hbm>>) target_semaphore(%run_scoped3A : memref<!tpu.dma_semaphore, #tpu.memory_space<semaphore_mem>>)
      %dma_wait3A_103 = arith.constant 0 : i32
      %dma_wait3A_104 = tpu.memref_slice %arg7[%add3A_49, %dma_wait3A_103] : memref<64x16xi32, #tpu.memory_space<hbm>> -> memref<1x16xi32, #tpu.memory_space<hbm>>
      %dma_wait3A_105 = tpu.memref_squeeze %dma_wait3A_104 : memref<1x16xi32, #tpu.memory_space<hbm>> -> memref<16xi32, #tpu.memory_space<hbm>>
      %dma_wait3A_106 = arith.constant 0 : i32
      %dma_wait3A_107 = tpu.memref_slice %arg7[%add3A_49, %dma_wait3A_106] : memref<64x16xi32, #tpu.memory_space<hbm>> -> memref<1x16xi32, #tpu.memory_space<hbm>>
      %dma_wait3A_108 = tpu.memref_squeeze %dma_wait3A_107 : memref<1x16xi32, #tpu.memory_space<hbm>> -> memref<16xi32, #tpu.memory_space<hbm>>
      tpu.wait_dma2 semaphore(%run_scoped3A : memref<!tpu.dma_semaphore, #tpu.memory_space<semaphore_mem>>) src(%arg10 : memref<16xi32, #tpu.memory_space<vmem>>) dst(%dma_wait3A_108 : memref<16xi32, #tpu.memory_space<hbm>>)
      tpu.yield
    }) : () -> ()
    %dma_wait3A_91 = arith.constant 0 : i32
    %dma_wait3A_92 = arith.constant 0 : i32
    %dma_wait3A_93 = tpu.memref_slice %arg3[%dma_wait3A_91, %dma_wait3A_92] : memref<65536x768xf32, #tpu.memory_space<hbm>> -> memref<65536x768xf32, #tpu.memory_space<hbm>>
    tpu.wait_indirect_dma semaphore(%arg15 : memref<!tpu.dma_semaphore, #tpu.memory_space<semaphore_mem>>) src(%dma_wait3A_93 : memref<65536x768xf32, #tpu.memory_space<hbm>>) dst(%arg13 : memref<16x768xf32, #tpu.memory_space<vmem>>)
    %dma_wait3A_94 = arith.constant 0 : i32
    %dma_wait3A_95 = arith.constant 0 : i32
    %dma_wait3A_96 = tpu.memref_slice %arg3[%dma_wait3A_94, %dma_wait3A_95] : memref<65536x768xf32, #tpu.memory_space<hbm>> -> memref<65536x768xf32, #tpu.memory_space<hbm>>
    tpu.wait_indirect_dma semaphore(%arg16 : memref<!tpu.dma_semaphore, #tpu.memory_space<semaphore_mem>>) src(%dma_wait3A_96 : memref<65536x768xf32, #tpu.memory_space<hbm>>) dst(%arg14 : memref<16x768xf32, #tpu.memory_space<vmem>>)
    "tpu.region"() ({
      %run_scoped3A = tpu.sem_alloc : memref<!tpu.dma_semaphore, #tpu.memory_space<semaphore_mem>>
      %dma_start3A_97 = arith.constant 0 : i32
      %dma_start3A_98 = arith.constant 0 : i32
      %dma_start3A_99 = tpu.memref_slice %arg4[%add3A_49, %dma_start3A_97, %dma_start3A_98] : memref<64x16x768xf32, #tpu.memory_space<hbm>> -> memref<1x16x768xf32, #tpu.memory_space<hbm>>
      %dma_start3A_100 = tpu.memref_squeeze %dma_start3A_99 : memref<1x16x768xf32, #tpu.memory_space<hbm>> -> memref<16x768xf32, #tpu.memory_space<hbm>>
      %dma_start3A_101 = arith.constant 0 : i32
      %dma_start3A_102 = arith.constant 0 : i32
      %dma_start3A_103 = tpu.memref_slice %arg4[%add3A_49, %dma_start3A_101, %dma_start3A_102] : memref<64x16x768xf32, #tpu.memory_space<hbm>> -> memref<1x16x768xf32, #tpu.memory_space<hbm>>
      %dma_start3A_104 = tpu.memref_squeeze %dma_start3A_103 : memref<1x16x768xf32, #tpu.memory_space<hbm>> -> memref<16x768xf32, #tpu.memory_space<hbm>>
      tpu.enqueue_dma source(%arg13 : memref<16x768xf32, #tpu.memory_space<vmem>>) target(%dma_start3A_104 : memref<16x768xf32, #tpu.memory_space<hbm>>) target_semaphore(%run_scoped3A : memref<!tpu.dma_semaphore, #tpu.memory_space<semaphore_mem>>)
      %dma_wait3A_105 = arith.constant 0 : i32
      %dma_wait3A_106 = arith.constant 0 : i32
      %dma_wait3A_107 = tpu.memref_slice %arg4[%add3A_49, %dma_wait3A_105, %dma_wait3A_106] : memref<64x16x768xf32, #tpu.memory_space<hbm>> -> memref<1x16x768xf32, #tpu.memory_space<hbm>>
      %dma_wait3A_108 = tpu.memref_squeeze %dma_wait3A_107 : memref<1x16x768xf32, #tpu.memory_space<hbm>> -> memref<16x768xf32, #tpu.memory_space<hbm>>
      %dma_wait3A_109 = arith.constant 0 : i32
      %dma_wait3A_110 = arith.constant 0 : i32
      %dma_wait3A_111 = tpu.memref_slice %arg4[%add3A_49, %dma_wait3A_109, %dma_wait3A_110] : memref<64x16x768xf32, #tpu.memory_space<hbm>> -> memref<1x16x768xf32, #tpu.memory_space<hbm>>
      %dma_wait3A_112 = tpu.memref_squeeze %dma_wait3A_111 : memref<1x16x768xf32, #tpu.memory_space<hbm>> -> memref<16x768xf32, #tpu.memory_space<hbm>>
      tpu.wait_dma2 semaphore(%run_scoped3A : memref<!tpu.dma_semaphore, #tpu.memory_space<semaphore_mem>>) src(%arg13 : memref<16x768xf32, #tpu.memory_space<vmem>>) dst(%dma_wait3A_112 : memref<16x768xf32, #tpu.memory_space<hbm>>)
      tpu.yield
    }) : () -> ()
    "tpu.region"() ({
      %run_scoped3A = tpu.sem_alloc : memref<!tpu.dma_semaphore, #tpu.memory_space<semaphore_mem>>
      %dma_start3A_97 = arith.constant 0 : i32
      %dma_start3A_98 = arith.constant 0 : i32
      %dma_start3A_99 = tpu.memref_slice %arg5[%add3A_49, %dma_start3A_97, %dma_start3A_98] : memref<64x16x768xf32, #tpu.memory_space<hbm>> -> memref<1x16x768xf32, #tpu.memory_space<hbm>>
      %dma_start3A_100 = tpu.memref_squeeze %dma_start3A_99 : memref<1x16x768xf32, #tpu.memory_space<hbm>> -> memref<16x768xf32, #tpu.memory_space<hbm>>
      %dma_start3A_101 = arith.constant 0 : i32
      %dma_start3A_102 = arith.constant 0 : i32
      %dma_start3A_103 = tpu.memref_slice %arg5[%add3A_49, %dma_start3A_101, %dma_start3A_102] : memref<64x16x768xf32, #tpu.memory_space<hbm>> -> memref<1x16x768xf32, #tpu.memory_space<hbm>>
      %dma_start3A_104 = tpu.memref_squeeze %dma_start3A_103 : memref<1x16x768xf32, #tpu.memory_space<hbm>> -> memref<16x768xf32, #tpu.memory_space<hbm>>
      tpu.enqueue_dma source(%arg14 : memref<16x768xf32, #tpu.memory_space<vmem>>) target(%dma_start3A_104 : memref<16x768xf32, #tpu.memory_space<hbm>>) target_semaphore(%run_scoped3A : memref<!tpu.dma_semaphore, #tpu.memory_space<semaphore_mem>>)
      %dma_wait3A_105 = arith.constant 0 : i32
      %dma_wait3A_106 = arith.constant 0 : i32
      %dma_wait3A_107 = tpu.memref_slice %arg5[%add3A_49, %dma_wait3A_105, %dma_wait3A_106] : memref<64x16x768xf32, #tpu.memory_space<hbm>> -> memref<1x16x768xf32, #tpu.memory_space<hbm>>
      %dma_wait3A_108 = tpu.memref_squeeze %dma_wait3A_107 : memref<1x16x768xf32, #tpu.memory_space<hbm>> -> memref<16x768xf32, #tpu.memory_space<hbm>>
      %dma_wait3A_109 = arith.constant 0 : i32
      %dma_wait3A_110 = arith.constant 0 : i32
      %dma_wait3A_111 = tpu.memref_slice %arg5[%add3A_49, %dma_wait3A_109, %dma_wait3A_110] : memref<64x16x768xf32, #tpu.memory_space<hbm>> -> memref<1x16x768xf32, #tpu.memory_space<hbm>>
      %dma_wait3A_112 = tpu.memref_squeeze %dma_wait3A_111 : memref<1x16x768xf32, #tpu.memory_space<hbm>> -> memref<16x768xf32, #tpu.memory_space<hbm>>
      tpu.wait_dma2 semaphore(%run_scoped3A : memref<!tpu.dma_semaphore, #tpu.memory_space<semaphore_mem>>) src(%arg14 : memref<16x768xf32, #tpu.memory_space<vmem>>) dst(%dma_wait3A_112 : memref<16x768xf32, #tpu.memory_space<hbm>>)
      tpu.yield
    }) : () -> ()
    return
  }
}

module attributes {stable_mosaic.version = 14 : i64} {
  func.func @_sim_body(%arg0: i32, %arg1: memref<64xi32, #tpu.memory_space<smem>>, %arg2: memref<1x1024x768xf32, #tpu.memory_space<vmem>>, %arg3: memref<1x1x768xf32, #tpu.memory_space<vmem>>, %arg4: memref<1x1x1024xf32, #tpu.memory_space<vmem>>) attributes {dimension_semantics = [#tpu.dimension_semantics<arbitrary>], iteration_bounds = array<i64: 64>, scalar_prefetch = 1 : i64, scratch_operands = 0 : i64, tpu.core_type = #tpu.core_type<tc>, window_params = [{transform_indices = @transform_0, window_bounds = array<i64: 1, 1024, 768>}, {transform_indices = @transform_1, window_bounds = array<i64: 1, 1, 768>}, {transform_indices = @transform_2, window_bounds = array<i64: 1, 1, 1024>}]} {
    %get3A = arith.constant 0 : index
    %get3A_0 = arith.constant 0 : index
    %get3A_1 = arith.constant 0 : index
    %get3A_2 = vector.load %arg3[%get3A, %get3A_0, %get3A_1] : memref<1x1x768xf32, #tpu.memory_space<vmem>>, vector<1x1x768xf32>
    %get3A_3 = vector.shape_cast %get3A_2 : vector<1x1x768xf32> to vector<768xf32>
    %mul3A = arith.mulf %get3A_3, %get3A_3 : vector<768xf32>
    %reduce_sum3A = vector.shape_cast %mul3A : vector<768xf32> to vector<1x768xf32>
    %reduce_sum3A_4 = arith.constant dense<0.000000e+00> : vector<1xf32>
    %reduce_sum3A_5 = vector.multi_reduction <add>, %reduce_sum3A, %reduce_sum3A_4 [1] : vector<1x768xf32> to vector<1xf32>
    %reduce_sum3A_6 = vector.shape_cast %reduce_sum3A_5 : vector<1xf32> to vector<1x1xf32>
    %reduce_sum3A_7 = vector.extract %reduce_sum3A_6[0, 0] : f32 from vector<1x1xf32>
    %sqrt3A = math.sqrt %reduce_sum3A_7 : f32
    %add3A = arith.constant 9.99999993E-9 : f32
    %add3A_8 = arith.addf %sqrt3A, %add3A : f32
    %div3A = vector.broadcast %add3A_8 : f32 to vector<768xf32>
    %div3A_9 = arith.divf %get3A_3, %div3A : vector<768xf32>
    %convert_element_type3A = arith.truncf %div3A_9 : vector<768xf32> to vector<768xbf16>
    %convert_element_type3A_10 = arith.extf %convert_element_type3A : vector<768xbf16> to vector<768xf32>
    %get3A_11 = arith.constant 0 : index
    %get3A_12 = arith.constant 0 : index
    %get3A_13 = arith.constant 0 : index
    %get3A_14 = vector.load %arg2[%get3A_11, %get3A_12, %get3A_13] : memref<1x1024x768xf32, #tpu.memory_space<vmem>>, vector<1x1024x768xf32>
    %get3A_15 = vector.shape_cast %get3A_14 : vector<1x1024x768xf32> to vector<1024x768xf32>
    %mul3A_16 = arith.mulf %get3A_15, %get3A_15 : vector<1024x768xf32>
    %reduce_sum3A_17 = arith.constant dense<0.000000e+00> : vector<1024xf32>
    %reduce_sum3A_18 = vector.multi_reduction <add>, %mul3A_16, %reduce_sum3A_17 [1] : vector<1024x768xf32> to vector<1024xf32>
    %sqrt3A_19 = math.sqrt %reduce_sum3A_18 : vector<1024xf32>
    %add3A_20 = arith.constant 9.99999993E-9 : f32
    %add3A_21 = vector.broadcast %add3A_20 : f32 to vector<1024xf32>
    %add3A_22 = arith.addf %sqrt3A_19, %add3A_21 : vector<1024xf32>
    %broadcast_in_dim3A = vector.shape_cast %add3A_22 : vector<1024xf32> to vector<1024x1xf32>
    %div3A_23 = vector.broadcast %broadcast_in_dim3A : vector<1024x1xf32> to vector<1024x768xf32>
    %div3A_24 = arith.divf %get3A_15, %div3A_23 : vector<1024x768xf32>
    %convert_element_type3A_25 = arith.truncf %div3A_24 : vector<1024x768xf32> to vector<1024x768xbf16>
    %convert_element_type3A_26 = arith.extf %convert_element_type3A_25 : vector<1024x768xbf16> to vector<1024x768xf32>
    %broadcast_in_dim3A_27 = vector.shape_cast %convert_element_type3A_10 : vector<768xf32> to vector<1x768xf32>
    %mul3A_28 = vector.broadcast %broadcast_in_dim3A_27 : vector<1x768xf32> to vector<1024x768xf32>
    %mul3A_29 = arith.mulf %convert_element_type3A_26, %mul3A_28 : vector<1024x768xf32>
    %reduce_sum3A_30 = arith.constant dense<0.000000e+00> : vector<1024xf32>
    %reduce_sum3A_31 = vector.multi_reduction <add>, %mul3A_29, %reduce_sum3A_30 [1] : vector<1024x768xf32> to vector<1024xf32>
    %swap3A = arith.constant 0 : index
    %swap3A_32 = arith.constant 0 : index
    %swap3A_33 = arith.constant 0 : index
    %swap3A_34 = vector.load %arg4[%swap3A, %swap3A_32, %swap3A_33] : memref<1x1x1024xf32, #tpu.memory_space<vmem>>, vector<1x1x1024xf32>
    %swap3A_35 = vector.shape_cast %swap3A_34 : vector<1x1x1024xf32> to vector<1024xf32>
    %swap3A_36 = vector.shape_cast %reduce_sum3A_31 : vector<1024xf32> to vector<1x1x1024xf32>
    tpu.vector_store %arg4[%swap3A, %swap3A_32, %swap3A_33], %swap3A_36 {strides = array<i32>} : memref<1x1x1024xf32, #tpu.memory_space<vmem>>, vector<1x1x1024xf32>,
    return
  }
  func.func @transform_0(%arg0: i32, %arg1: memref<64xi32, #tpu.memory_space<smem>>) -> (i32, i32, i32) {
    %c0_i32 = arith.constant 0 : i32
    %c0_i32_0 = arith.constant 0 : i32
    %c0_i32_1 = arith.constant 0 : i32
    return %arg0, %c0_i32, %c0_i32_0 : i32, i32, i32
  }
  func.func @transform_1(%arg0: i32, %arg1: memref<64xi32, #tpu.memory_space<smem>>) -> (i32, i32, i32) {
    %mul3A = arith.constant 14 : i32
    %mul3A_0 = arith.muli %arg0, %mul3A : i32
    %get3A = arith.index_cast %arg0 : i32 to index
    %get3A_1 = memref.load %arg1[%get3A] : memref<64xi32, #tpu.memory_space<smem>>
    %add3A = arith.addi %mul3A_0, %get3A_1 : i32
    %c0_i32 = arith.constant 0 : i32
    %c0_i32_2 = arith.constant 0 : i32
    %c0_i32_3 = arith.constant 0 : i32
    return %add3A, %c0_i32, %c0_i32_2 : i32, i32, i32
  }
  func.func @transform_2(%arg0: i32, %arg1: memref<64xi32, #tpu.memory_space<smem>>) -> (i32, i32, i32) {
    %c0_i32 = arith.constant 0 : i32
    %c0_i32_0 = arith.constant 0 : i32
    %c0_i32_1 = arith.constant 0 : i32
    return %arg0, %c0_i32, %c0_i32_0 : i32, i32, i32
  }
}

</mosaic_0001>

<sc_bundles>
// kernel: kernel.4.cloned.1.call-start
scs
__scs_entry_jumppad:
0x0: {  	(pc) =	sbr.rel $0x88, $3  }
0x1: {  	(tag) =	ssettag $0x0;
	lr =	simm.s32 $0x1  }
0x2: {  	[smem:$0x3F9E] =	sst lr;
	_ =	strace $0xD0000000  }
0x3: {  	_ = 	snop  }
0x4: {  	_ = 	snop  }
0x5: {  	_ = 	snop  }
0x6: {  	_ = 	snop  }
0x7: {  	_ = 	snop  }
__scs_overlays_trampoline_lowered:
0x8: {  	[smem:$0x3FAD] =	sst s0  }
0x9: {  	[smem:$0x3FAE] =	sst s1  }
0xa: {  	[smem:$0x3FAF] =	sst s2  }
0xb: {  	[smem:$0x3FB0] =	sst s3  }
0xc: {  	[smem:$0x3FB1] =	sst s4  }
0xd: {  	[smem:$0x3FB2] =	sst s5  }
0xe: {  	[smem:$0x3FB3] =	sst s6  }
0xf: {  	[smem:$0x3FB4] =	sst s7  }
0x10: {  	[smem:$0x3FB5] =	sst s8  }
0x11: {  	[smem:$0x3FB6] =	sst s9;
	s0 =	simm.s32 @!p0 $0x0  }
0x12: {  	s1 =	sld [smem:$0x3F9C];
	s0 =	simm.s32 @p0 $0x1  }
0x13: {  	[smem:$0x3FB7] =	sst s0;
	s0 =	simm.s32 @!p1 $0x0  }
0x14: {  	s2 =	sld [smem:$0x3F9B];
	s0 =	simm.s32 @p1 $0x1  }
0x15: {  	[smem:$0x3FB8] =	sst s0;
	s0 =	simm.s32 @!p2 $0x0  }
0x16: {  	s3 =	sld [smem:$0x3FDB];
	s0 =	simm.s32 @p2 $0x1  }
0x17: {  	s4 =	simm.s32 $0x1BF5;
	[smem:$0x3FBA] =	sst s0  }
0x18: {  	s0 =	sld [smem:$0x3F9D];
	_ =	swait.ge [sflag:s4], $0x0  }
0x19: {  	s7 =	sld [smem:$0x3F9E]  }
0x1a: {  	s8 =	sadd.s32 $0xFFFFE003, lr  }
0x1b: {  	s9 =	sadd.s32 $0xFFFFFEF7, lr;
	s5 =	simm.s32 $0xFFFFFFFF;
	p2 =	slt.u32 s8, $0xFFFFF086  }
0x1c: {  	p1 =	slt.u32 s9, $0xF7A;
	s5 =	simm.s32 @!p2 $0x0  }
0x1d: {  	s5 =	simm.s32 @p1 $0x1;
	p0 =	seq.s32 s7, s2  }
0x1e: {  	s7 =	smul.u32 @!p0 $0xF7A, s2;
	p2 =	seq.s32 @!p0 s5, $0x0  }
0x1f: {  	s9 =	smul.u32 $0xF7A, s1;
	s8 =	simm.s32 @!p0 $0x1BF5;
	p2 =	por !p2, p0  }
0x20: {  	[sflag:s8] =	ssyncset.s32 @!p0 $0xFFFFF086;
	s6 =	sadd.s32 @!p0 s3, s7;
	s7 =	simm.s32 @!p0 $0x108  }
0x21: {  	s3 =	sadd.s32 s3, s9;
	s6 =	sadd.s32 @!p0 $0x88, s6;
	s7 =	simm.s32 @p2 $0x1082  }
0x22: {  	[simem:s7], [sflag:s8] =	dma.local @!p0 [hbm:s6], $0xF7A  }
0x23: {  	s9 =	sor.u32 $0xD0000000, s2;
	s6 =	simm.s32 $0x108;
	_ =	swait.ge @!p0 [sflag:s8], $0x0  }
0x24: {  	s3 =	sadd.s32 $0x88, s3;
	s6 =	simm.s32 @!p1 $0x1082;
	[sflag:s4] =	ssyncset.s32 $0xFFFFF086  }
0x25: {  	[simem:s6], [sflag:s4] =	dma.local [hbm:s3], $0xF7A  }
0x26: {  	[smem:$0x3F9E] =	sst s1;
	(tag) =	ssettag s2;
	_ =	strace s9  }
0x27: {  	s1 =	sld [smem:$0x3FAE]  }
0x28: {  	s2 =	sld [smem:$0x3FAF]  }
0x29: {  	s4 =	sld [smem:$0x3FB1]  }
0x2a: {  	p0 =	seq.s32 s5, $0x0;
	s5 =	sld [smem:$0x3FB2]  }
0x2b: {  	s6 =	sld [smem:$0x3FB3]  }
0x2c: {  	s7 =	sld [smem:$0x3FB4]  }
0x2d: {  	s3 =	simm.s32 $0x108;
	s8 =	sld [smem:$0x3FB5]  }
0x2e: {  	s3 =	simm.s32 @!p0 $0x1082;
	s9 =	sld [smem:$0x3FB6]  }
0x2f: {  	lr =	sadd.s32 s0, s3;
	s0 =	sld [smem:$0x3FAD]  }
0x30: {  	s3 =	sld [smem:$0x3FB0]  }
0x31: {  	[smem:$0x3FB9] =	sst s10  }
0x32: {  	s10 =	sld [smem:$0x3FB7];
	_ =	sdelay $0x3  }
0x33: {  	p0 =	seq.s32 s10, $0x1;
	s10 =	sld [smem:$0x3FB9];
	_ =	sdelay $0x3  }
0x34: {  	[smem:$0x3FB9] =	sst s10  }
0x35: {  	s10 =	sld [smem:$0x3FB8];
	_ =	sdelay $0x3  }
0x36: {  	p1 =	seq.s32 s10, $0x1;
	s10 =	sld [smem:$0x3FB9];
	_ =	sdelay $0x3  }
0x37: {  	[smem:$0x3FB9] =	sst s10  }
0x38: {  	s10 =	sld [smem:$0x3FBA]  }
0x39: {  	_ = 	snop;
	(pc) =	sbr.ind lr, $3  }
0x3a: {  	_ = 	snop  }
0x3b: {  	_ = 	snop  }
0x3c: {  	p2 =	seq.s32 s10, $0x1;
	s10 =	sld [smem:$0x3FB9]  }
0x3d: {  	_ =	shalt  }
0x3e: {  	_ =	shalt  }
0x3f: {  	_ =	shalt  }
0x40: {  	_ =	shalt  }
0x41: {  	_ =	shalt  }
0x42: {  	_ =	shalt  }
0x43: {  	_ =	shalt  }
0x44: {  	_ =	shalt  }
0x45: {  	_ =	shalt  }
0x46: {  	_ =	shalt  }
0x47: {  	_ =	shalt  }
0x48: {  	_ =	shalt  }
0x49: {  	_ =	shalt  }
0x4a: {  	_ =	shalt  }
0x4b: {  	_ =	shalt  }
0x4c: {  	_ =	shalt  }
0x4d: {  	_ =	shalt  }
0x4e: {  	_ =	shalt  }
0x4f: {  	_ =	shalt  }
0x50: {  	_ =	shalt  }
0x51: {  	_ =	shalt  }
0x52: {  	_ =	shalt  }
0x53: {  	_ =	shalt  }
0x54: {  	_ =	shalt  }
0x55: {  	_ =	shalt  }
0x56: {  	_ =	shalt  }
0x57: {  	_ =	shalt  }
0x58: {  	_ =	shalt  }
0x59: {  	_ =	shalt  }
0x5a: {  	_ =	shalt  }
0x5b: {  	_ =	shalt  }
0x5c: {  	_ =	shalt  }
0x5d: {  	_ =	shalt  }
0x5e: {  	_ =	shalt  }
0x5f: {  	_ =	shalt  }
0x60: {  	_ =	shalt  }
0x61: {  	_ =	shalt  }
0x62: {  	_ =	shalt  }
0x63: {  	_ =	shalt  }
0x64: {  	_ =	shalt  }
0x65: {  	_ =	shalt  }
0x66: {  	_ =	shalt  }
0x67: {  	_ =	shalt  }
0x68: {  	_ =	shalt  }
0x69: {  	_ =	shalt  }
0x6a: {  	_ =	shalt  }
0x6b: {  	_ =	shalt  }
0x6c: {  	_ =	shalt  }
0x6d: {  	_ =	shalt  }
0x6e: {  	_ =	shalt  }
0x6f: {  	_ =	shalt  }
0x70: {  	_ =	shalt  }
0x71: {  	_ =	shalt  }
0x72: {  	_ =	shalt  }
0x73: {  	_ =	shalt  }
0x74: {  	_ =	shalt  }
0x75: {  	_ =	shalt  }
0x76: {  	_ =	shalt  }
0x77: {  	_ =	shalt  }
0x78: {  	_ =	shalt  }
0x79: {  	_ =	shalt  }
0x7a: {  	_ =	shalt  }
0x7b: {  	_ =	shalt  }
0x7c: {  	_ =	shalt  }
0x7d: {  	_ =	shalt  }
0x7e: {  	_ =	shalt  }
0x7f: {  	_ =	shalt  }
0x80: {  	_ =	shalt  }
0x81: {  	_ =	shalt  }
0x82: {  	_ =	shalt  }
0x83: {  	_ =	shalt  }
0x84: {  	_ =	shalt  }
0x85: {  	_ =	shalt  }
0x86: {  	_ =	shalt  }
0x87: {  	_ =	shalt  }
.Lfunc_end0:
.L_simem_size_0:
called_computation_lowered:
.L_overlay_start_0:
0x88: {  	s2 =	sld [smem:$0x3FD9]  }
0x89: {  	s3 =	sld [smem:$0x3FFE];
	_ =	sdelay $0x1  }
0x8a: {  	s1 =	srdreg.scid  }
0x8b: {  	s0 =	sand.u32 $0x1, s1  }
0x8c: {  	s14 =	sshll.u32 s0, $0xA;
	s2 =	sadd.s32 s3, s2  }
0x8d: {  	s2 =	sadd.s32 s2, s14  }
0x8e: {  	[smem:$0x3FC5] =	sst s2  }
0x8f: {  	_ = 	snop  }
0x90: {  	s2 =	sld [smem:$0x3FD0];
	_ =	sdelay $0x2  }
0x91: {  	s4 =	simm.s32 $0xA;
	s5 =	simm.s32 $0x10;
	s15 =	sld [smem:$0x3FC9]  }
0x92: {  	[smem:s5], [sflag:s4] =	dma.local [hbm:s2], $0x1  }
0x93: {  	_ =	swait.eq [sflag:s4], $0x1  }
0x94: {  	[sflag:s4] =	ssyncset.done $0x0  }
0x95: {  	s16 =	sld [smem:$0x10];
	[sflag:s4] =	ssyncadd.s32 $0xFFFFFFFF  }
0x96: {  	s17 =	sld [smem:$0x11];
	(tm) =	ssettm $0x1  }
0x97: {  	s18 =	sld [smem:$0x3FFB];
	_ =	sdelay $0x3  }
0x98: {  	_ =	strace s18  }
0x99: {  	s5 =	sld [smem:$0x3FFC];
	_ =	sdelay $0x3  }
0x9a: {  	_ =	strace s5  }
0x9b: {  	s5 =	sld [smem:$0x3FFD];
	_ =	sdelay $0x3  }
0x9c: {  	_ =	strace s5  }
0x9d: {  	_ =	strace $0x8FFFFFFF  }
0x9e: {  	s19 =	sld [smem:$0x3FDB];
	_ =	sdelay $0x1  }
0x9f: {  	s6 =	simm.s32 $_scs_section_size  }
0xa0: {  	s7 =	simm.s32 $_size__tile_overlayer_lowered;
	s8 =	simm.s32 $_tile_overlayer_lowered  }
0xa1: {  	s22 =	simm.s32 $0x1BFF;
	s21 =	sshll.u32 s8, $0x1;
	s5 =	sadd.s32 s6, s19  }
0xa2: {  	s9 =	simm.s32 $0x0;
	s20 =	sshll.u32 s7, $0x1;
	s7 =	sadd.s32 s21, s5  }
0xa3: {  	[timem:s9], [sflag:s22] =	dma.local [hbm:s7], s20  }
0xa4: {  	_ =	swait.ge [sflag:s22], s20  }
0xa5: {  	s6 =	ssub.s32 $0x0, s20;
	[sflag:s22] =	ssyncset.done $0x0  }
0xa6: {  	[sflag:s22] =	ssyncadd.s32 s6;
	_ =	sdelay $0x1  }
0xa7: {  	s23 =	simm.s32 $0x1B8B  }
0xa8: {  	_ =	swait.ge [sflag:s23], $0x1  }
0xa9: {  	[sflag:s23] =	ssyncset.done $0x0  }
0xaa: {  	s25 =	simm.s32 $0x1B8E;
	s24 =	sld [smem:$0x3FFE];
	[sflag:s23] =	ssyncadd.s32 $0xFFFFFFFF  }
0xab: {  	s26 =	simm.s32 $execute0_lowered;
	[smem:$0x3FD2] =	sst s25  }
0xac: {  	s7 =	sshll.u32 s26, $0x1;
	_ =	strace $0x80000046;
	[dreg:$0x1] =	wrdreg $0xFFFFFFFF  }
0xad: {  	s28 =	simm.s32 $_size_execute0_lowered;
	s5 =	sadd.s32 s5, s7;
	[dreg:$0x0] =	wrdreg $0x0  }
0xae: {  	s7 =	sshll.u32 s28, $0x1;
	[dreg:$0x2] =	wrdreg s5  }
0xaf: {  	[dreg:$0x3] =	wrdreg s7  }
0xb0: {  	[dreg:$0x4] =	wrdreg $0xC0  }
0xb1: {  	_ =	task [dreg:s9], $0x5FFFF  }
0xb2: {  	[dreg:$0x1] =	wrdreg $0xFFFFFFFF  }
0xb3: {  	[dreg:$0x0] =	wrdreg $0x60  }
0xb4: {  	[dreg:$0x2] =	wrdreg s24  }
0xb5: {  	[dreg:$0x3] =	wrdreg s15  }
0xb6: {  	[dreg:$0x4] =	wrdreg s16  }
0xb7: {  	[dreg:$0x5] =	wrdreg s17  }
0xb8: {  	[dreg:$0x6] =	wrdreg $0x9  }
0xb9: {  	_ =	task.clear_ibuf [dreg:s9], $0x7FFFF;
	_ =	strace $0x90000046  }
0xba: {  	s29 =	simm.s32 $0x9;
	_ =	strace $0x80000048  }
0xbb: {  	_ =	swait.ge [sflag:s29], $0x1  }
0xbc: {  	[sflag:s29] =	ssyncadd.s32 $0xFFFFFFFF  }
0xbd: {  	_ =	strace $0x90000048  }
0xbe: {  	_ =	sfence  }
0xbf: {  	s30 =	sld [smem:$0x0];
	_ =	sdelay $0x2  }
0xc0: {  	s31 =	sshll.u32 s1, $0xD;
	s1 =	sshrl.u32 s1, $0x2  }
0xc1: {  	s3 =	sand.u32 $0x4000, s31;
	s1 =	sadd.s32 s1, s30  }
0xc2: {  	s0 =	sor.u32 s3, s0;
	s1 =	sshll.u32 s1, $0x11  }
0xc3: {  	s0 =	sor.u32 s1, s0  }
0xc4: {  	s0 =	sadd.s32 $0x8F2B, s0  }
0xc5: {  	[sflag:s0] =	ssyncadd.remote.s32 $0x1  }
0xc6: {  	_ =	sfence.sel $0xFFFF  }
0xc7: {  	[dreg:$0x0] =	wrdreg $0xFFFFFFFF;
	(pc) =	sbr.abs _section_cstart, $3  }
0xc8: {  	[dreg:$0x1] =	wrdreg $0xFFFFFFFF  }
0xc9: {  	_ =	task.clear_ibuf [dreg:s9], $0x2FFFF;
	_ =	strace $0x9FFFFFFF  }
0xca: {  	(tm) =	ssettm $0x7FFFFFFF  }
0xcb: {  	_ =	shalt  }
tec
execute0_lowered:
.L_overlay_start_1:
0x0: {  	(tag) =	ssettag $0x1  }
0x1: {  	s0 =	rddreg [dreg:$0x0]  }
0x2: {  	s1 =	rddreg [dreg:$0x1]  }
0x3: {  	s2 =	rddreg [dreg:$0x2];
	s3 =	srdreg.scid  }
0x4: {  	s8 =	stileid.u32;
	s4 =	rddreg [dreg:$0x3];
	s18 =	simm.s32 $0x400  }
0x5: {  	s28 =	simm.s32 $0x3E00;
	s29 =	simm.s32 $0x4600;
	s30 =	simm.s32 $0x4E00  }
0x6: {  	s31 =	simm.s32 $0x5600;
	s5 =	sand.u32 $0x1, s3;
	s6 =	sshll.u32 s8, $0x1  }
0x7: {  	s3 =	simm.s32 $0x0;
	s19 =	sshrl.u32 s8, $0x1;
	s10 =	sadd.s32 $0xA00, s0  }
0x8: {  	s12 =	sadd.s32 $0x2A00, s0;
	s0 =	sadd.s32 $0x2E00, s0;
	s7 =	sor.u32 s5, s6  }
0x9: {  	[smem:$0x7FF] =	sst s3;
	s9 =	sshll.u32 s19, $0xD;
	s5 =	ssub.s32 $0x2, s5  }
0xa: {  	s22 =	sshll.u32 s19, $0xA;
	s6 =	sadd.s32 $0x200, s1;
	s19 =	simm.s32 $0x3  }
0xb: {  	s20 =	sshll.u32 s7, $0x8;
	_ =	strace $0x80000047;
	s13 =	sshrl.u32 s5, $0x1  }
0xc: {  	s14 =	sshllo.u32 s7, $0x1;
	s8 =	sand.u32 $0x300, s20;
	s16 =	ssub.s32 s5, s13  }
0xd: {  	s5 =	sadd.s32 $0x100, s1;
	s15 =	sshll.u32 s14, $0x7;
	s26 =	smul.u32 $0x600, s14  }
0xe: {  	s20 =	simm.s32 $0x600;
	s11 =	sor.u32 s9, s8;
	s8 =	sor.u32 s22, s8  }
0xf: {  	s23 =	sand.u32 $0x380, s15;
	s16 =	smax.u32 s16, $0x1;
	s11 =	sshrl.u32 s11, $0x3  }
0x10: {  	s8 =	sshrl.u32 s8, $0x3;
	s25 =	sor.u32 s9, s23;
	s21 =	sadd.s32 s10, s11  }
0x11: {  	s15 =	sadd.s32 s4, s26;
	s17 =	sadd.s32 s12, s8;
	[dreg:$0x5] =	wrdreg s21  }
0x12: {  	s11 =	sshll.u32 s7, $0xB;
	s8 =	sadd.s32 s0, s8;
	[dreg:$0x6] =	wrdreg s17  }
0x13: {  	s7 =	smul.u32 $0xC00, s7;
	[dreg:$0x7] =	wrdreg s8;
	s8 =	sor.u32 s22, s23  }
0x14: {  	s17 =	simm.s32 $0x80;
	s21 =	simm.s32 $0xE00;
	s22 =	simm.s32 $0x1600  }
0x15: {  	s23 =	simm.s32 $0x1E00;
	s24 =	sadd.s32 s2, s7;
	s7 =	sadd.s32 s4, s7  }
0x16: {  	s8 =	sshrl.u32 s8, $0x3;
	s4 =	simm.s32 $0x1;
	[dreg:$0x8] =	wrdreg s24  }
0x17: {  	[dreg:$0x9] =	wrdreg s7;
	s7 =	sshrl.u32 s25, $0x3;
	s12 =	sadd.s32 s12, s8  }
0x18: {  	v0 =	vlaneseq.u32;
	s13 =	sadd.s32 s0, s8;
	s24 =	simm.s32 $0x2600;
	s25 =	simm.s32 $0x2E00  }
0x19: {  	vm0 =	vmmov $0xffff;
	v3 =	vmul.u32 $0xFFFFFFFF, v0;
	v5 =	vshrl.u32 v0, $0x3;
	s0 =	simm.s32 $0x480;
	s8 =	simm.s32 $0x0;
	s7 =	sadd.s32 s10, s7  }
0x1a: {  	v4 =	vand.u32 $0x7, v0;
	v6 =	vor.u32 $0x8, v0;
	v5 =	vmul.u32 $0x8, v5;
	s10 =	sshll.u32 s14, $0xA;
	s14 =	sadd.s32 s2, s26;
	s26 =	simm.s32 $0x3600  }
0x1b: {  	v3 =	vadd.s32 $0xF, v3;
	v1 =	vmov s11;
	s2 =	simm.s32 $0x5E00;
	[dreg:$0xa] =	wrdreg s7;
	v2 =	vmov s10;
	s7 =	simm.s32 $0x2  }
.LBB2_1:
0x1c: {  	s9 =	rddreg [dreg:$0x5]  }
0x1d: {  	[tilespmem:s3], [sflag:$0x3] =	stream.strided.gather [hbm4b:s9+s17], $0x400, s18, s17, $0x38;
	[tilespmem:$0x6600] =	vst v63  }
0x1e: {  	_ =	swait.ge [sflag:s19], $0x400  }
0x1f: {  	[sflag:s19] =	ssyncset.done $0x0  }
0x20: {  	[sflag:s19] =	ssyncadd.s32 $0xFFFFFC00  }
0x21: {  	v7 =	vld [tilespmem:s3+$0x0];
	_ =	sdelay $0x3  }
0x22: {  	v8 =	vor.u32 s3, v0  }
0x23: {  	(xrf1) =	vsort.ascd.msk.f32 $0xffff, v7, v8;
	_ =	sdelay $0xa  }
0x24: {  	s11 =	simm.s32 $0x10  }
0x25: {  	v7 =	vld [tilespmem:s11+$0x0];
	_ =	sdelay $0x1  }
0x26: {  	v8, v9, _ =	vpop (xrf1)  }
0x27: {  	v8 =	vperm.xlane v8, v3  }
0x28: {  	v10 =	vimm.f32 $-2.000000000e+00;
	v11 =	vor.u32 s11, v0;
	v9 =	vperm.xlane v9, v3  }
0x29: {  	v12 =	vimm.f32 $2.000000000e+00;
	v13 =	vimm.s32 $0x0;
	(xrf1) =	vsort.ascd.msk.f32 $0xffff, v7, v11;
	vm1 =	vge.f32 v10, v8  }
0x2a: {  	v7 =	vsel vm1, v10, v8;
	v63 =	vsel vm1, v13, v9;
	vm1 =	vle.f32 v12, v8  }
0x2b: {  	v8 =	vsel vm1, v12, v8;
	v9 =	vsel vm1, v13, v9;
	(xrf1) =	vsort.ascd.msk.f32 $0xffff, v7, v63  }
0x2c: {  	(xrf1) =	vsort.ascd.msk.f32 $0xffff, v8, v9;
	_ =	sdelay $0x7  }
0x2d: {  	s9 =	simm.s32 $0x20  }
0x2e: {  	v7 =	vld [tilespmem:s9+$0x0]  }
0x2f: {  	s10 =	simm.s32 $0x30;
	s11 =	simm.s32 $0x20  }
.LBB2_2:
0x30: {  	p0 =	sne.s32 s10, $0x3F0;
	v8, v9, _ =	vpop (xrf1)  }
0x31: {  	v8 =	vperm.xlane v8, v3  }
0x32: {  	v13 =	vor.u32 s9, v0;
	s9 =	smov.u32 s10;
	v9 =	vperm.xlane v9, v3;
	v11, v12, _ =	vpop (xrf1)  }
0x33: {  	(xrf1) =	vsort.ascd.msk.f32 $0xffff, v7, v13;
	vm1 =	vge.f32 v11, v8;
	v7, v10, _ =	vpop (xrf1)  }
0x34: {  	v11 =	vsel vm1, v11, v8;
	v12 =	vsel vm1, v12, v9;
	vm1 =	vle.f32 v7, v8  }
0x35: {  	v7 =	vsel vm1, v7, v8;
	v8 =	vsel vm1, v10, v9;
	(xrf1) =	vsort.ascd.msk.f32 $0xffff, v11, v12  }
0x36: {  	(xrf1) =	vsort.ascd.msk.f32 $0xffff, v7, v8;
	_ =	sdelay $0x5  }
.Ltmp0:
0x37: {  	(pc) =	sbr.rel @p0 .LBB2_2-.Ltmp0, $4  }
0x38: {  	_ = 	snop  }
0x39: {  	s11 =	sadd.s32 $0x10, s11  }
0x3a: {  	v7 =	vld [tilespmem:s11+$0x0]  }
0x3b: {  	s10 =	sadd.s32 $0x10, s10  }
0x3c: {  	v8, v9, _ =	vpop (xrf1)  }
0x3d: {  	v8 =	vperm.xlane v8, v3  }
0x3e: {  	v10 =	vor.u32 s9, v0;
	v9 =	vperm.xlane v9, v3;
	v11, v12, _ =	vpop (xrf1)  }
0x3f: {  	(xrf1) =	vsort.ascd.msk.f32 $0xffff, v7, v10;
	vm1 =	vge.f32 v11, v8  }
0x40: {  	v7 =	vsel vm1, v11, v8;
	v53 =	vsel vm1, v12, v9  }
0x41: {  	(xrf1) =	vsort.ascd.msk.f32 $0xffff, v7, v53;
	_ =	sdelay $0xa  }
0x42: {  	v7, v10, _ =	vpop (xrf1)  }
0x43: {  	v54, v55, _ =	vpop (xrf1)  }
0x44: {  	v11 =	vperm.xlane v54, v3  }
0x45: {  	vm1 =	vle.f32 v7, v8;
	v12 =	vperm.xlane v55, v3;
	v13, v14, _ =	vpop (xrf1)  }
0x46: {  	v7 =	vsel vm1, v7, v8;
	v8 =	vsel vm1, v10, v9;
	vm1 =	vge.f32 v13, v11  }
0x47: {  	(xrf1) =	vsort.ascd.msk.f32 $0xffff, v7, v8;
	v7 =	vsel vm1, v13, v11;
	v8 =	vsel vm1, v14, v12  }
0x48: {  	(xrf1) =	vsort.ascd.msk.f32 $0xffff, v7, v8;
	_ =	sdelay $0xc  }
0x49: {  	v7, v8, _ =	vpop (xrf1)  }
0x4a: {  	v9, v10, _ =	vpop (xrf1)  }
0x4b: {  	v9 =	vperm.xlane v10, v3  }
0x4c: {  	vm1 =	vle.f32 v7, v11  }
0x4d: {  	v7 =	vsel vm1, v7, v11;
	v8 =	vsel vm1, v8, v12;
	v10 =	vadd.s32 v1, v9  }
0x4e: {  	(xrf1) =	vsort.ascd.msk.f32 $0xffff, v7, v8;
	[tilespmem:$0x500] =	vst v10  }
0x4f: {  	v7 =	vld [tilespmem:$0x500];
	_ =	sdelay $0x4  }
0x50: {  	v8 =	vshrl.u32 v7, $0x3  }
0x51: {  	v8 =	vmul.u32 $0x30, v8  }
0x52: {  	v7 =	vand.u32 $0x7, v7  }
0x53: {  	v7 =	vor.u32 v7, v8  }
0x54: {  	v8 =	vperm.xlane v7, v4;
	_ =	sdelay $0x1  }
0x55: {  	v8 =	vadd.s32 v5, v8;
	_ =	sdelay $0x1  }
0x56: {  	[tilespmem:$0x400] =	vst v9;
	v57, v56, _ =	vpop (xrf1)  }
0x57: {  	[tilespmem:$0x480] =	vst v56;
	v58 =	vadd.s32 v1, v56  }
0x58: {  	s9 =	simm.s32 $0x0;
	[tilespmem:$0x580] =	vst v58;
	v7 =	vperm.xlane v7, v6  }
0x59: {  	[tilespmem:s20], [sflag:$0x1] =	stream.indirect_vreg.gather [hbm4b:s1+s9], $0x80, v8, vm0, $0xb8;
	[tilespmem:$0x6600] =	vst v63  }
0x5a: {  	v7 =	vadd.s32 v5, v7  }
0x5b: {  	[tilespmem:s21], [sflag:$0x1] =	stream.indirect_vreg.gather [hbm4b:s5+s9], $0x80, v8, vm0, $0xb8;
	[tilespmem:$0x6600] =	vst v63  }
0x5c: {  	_ = 	snop  }
0x5d: {  	[tilespmem:s22], [sflag:$0x1] =	stream.indirect_vreg.gather [hbm4b:s6+s9], $0x80, v8, vm0, $0xb8;
	[tilespmem:$0x6600] =	vst v63  }
0x5e: {  	_ = 	snop  }
0x5f: {  	[tilespmem:s23], [sflag:$0x1] =	stream.indirect_vreg.gather [hbm4b:s1+s9], $0x80, v7, vm0, $0xb8;
	[tilespmem:$0x6600] =	vst v63  }
0x60: {  	_ = 	snop  }
0x61: {  	[tilespmem:s24], [sflag:$0x1] =	stream.indirect_vreg.gather [hbm4b:s5+s9], $0x80, v7, vm0, $0xb8;
	[tilespmem:$0x6600] =	vst v63  }
0x62: {  	_ = 	snop  }
0x63: {  	[tilespmem:s25], [sflag:$0x1] =	stream.indirect_vreg.gather [hbm4b:s6+s9], $0x80, v7, vm0, $0xb8;
	[tilespmem:$0x6600] =	vst v63  }
0x64: {  	v7 =	vld [tilespmem:$0x580];
	_ =	sdelay $0x4  }
0x65: {  	v8 =	vshrl.u32 v7, $0x3  }
0x66: {  	v8 =	vmul.u32 $0x30, v8  }
0x67: {  	v7 =	vand.u32 $0x7, v7  }
0x68: {  	v7 =	vor.u32 v7, v8  }
0x69: {  	v8 =	vperm.xlane v7, v4;
	_ =	sdelay $0x1  }
0x6a: {  	v8 =	vadd.s32 v5, v8;
	_ =	sdelay $0x3  }
0x6b: {  	v7 =	vperm.xlane v7, v6  }
0x6c: {  	[tilespmem:s26], [sflag:$0x2] =	stream.indirect_vreg.gather [hbm4b:s1+s9], $0x80, v8, vm0, $0xb8;
	[tilespmem:$0x6600] =	vst v63  }
0x6d: {  	v7 =	vadd.s32 v5, v7  }
0x6e: {  	[tilespmem:s28], [sflag:$0x2] =	stream.indirect_vreg.gather [hbm4b:s5+s9], $0x80, v8, vm0, $0xb8;
	[tilespmem:$0x6600] =	vst v63  }
0x6f: {  	_ = 	snop  }
0x70: {  	[tilespmem:s29], [sflag:$0x2] =	stream.indirect_vreg.gather [hbm4b:s6+s9], $0x80, v8, vm0, $0xb8;
	[tilespmem:$0x6600] =	vst v63  }
0x71: {  	_ = 	snop  }
0x72: {  	[tilespmem:s30], [sflag:$0x2] =	stream.indirect_vreg.gather [hbm4b:s1+s9], $0x80, v7, vm0, $0xb8;
	[tilespmem:$0x6600] =	vst v63  }
0x73: {  	_ = 	snop  }
0x74: {  	[tilespmem:s31], [sflag:$0x2] =	stream.indirect_vreg.gather [hbm4b:s5+s9], $0x80, v7, vm0, $0xb8;
	[tilespmem:$0x6600] =	vst v63  }
0x75: {  	_ = 	snop  }
0x76: {  	[tilespmem:s2], [sflag:$0x2] =	stream.indirect_vreg.gather [hbm4b:s6+s9], $0x80, v7, vm0, $0xb8;
	[tilespmem:$0x6600] =	vst v63  }
0x77: {  	s10 =	rddreg [dreg:$0x6]  }
0x78: {  	[hbm4b:s10+s9] =	stream.linear.scatter [tilespmem:s18], [sflag:$0x3], $0x80, $0x38;
	[tilespmem:$0x6600] =	vst v63  }
0x79: {  	_ =	swait.ge [sflag:s19], $0x80  }
0x7a: {  	[sflag:s19] =	ssyncset.done $0x0  }
0x7b: {  	s11 =	rddreg [dreg:$0x7];
	[sflag:s19] =	ssyncadd.s32 $0xFFFFFF80  }
0x7c: {  	[hbm4b:s11+s9] =	stream.linear.scatter [tilespmem:s0], [sflag:$0x3], $0x80, $0x38;
	[tilespmem:$0x6600] =	vst v63  }
0x7d: {  	_ =	swait.ge [sflag:s19], $0x80  }
0x7e: {  	[sflag:s19] =	ssyncset.done $0x0  }
0x7f: {  	[sflag:s19] =	ssyncadd.s32 $0xFFFFFF80  }
0x80: {  	_ =	swait.ge [sflag:s4], $0x3000  }
0x81: {  	[sflag:s4] =	ssyncset.done $0x0  }
0x82: {  	[sflag:s4] =	ssyncadd.s32 $0xFFFFD000  }
0x83: {  	_ =	swait.ge [sflag:s7], $0x3000  }
0x84: {  	[sflag:s7] =	ssyncset.done $0x0  }
0x85: {  	s11 =	rddreg [dreg:$0x8];
	[sflag:s7] =	ssyncadd.s32 $0xFFFFD000  }
0x86: {  	[hbm4b:s11+s9] =	stream.linear.scatter [tilespmem:s20], [sflag:$0x3], $0x3000, $0x38;
	[tilespmem:$0x6600] =	vst v63  }
0x87: {  	_ =	swait.ge [sflag:s19], $0x3000  }
0x88: {  	[sflag:s19] =	ssyncset.done $0x0  }
0x89: {  	s11 =	rddreg [dreg:$0x9];
	[sflag:s19] =	ssyncadd.s32 $0xFFFFD000  }
0x8a: {  	[hbm4b:s11+s9] =	stream.linear.scatter [tilespmem:s26], [sflag:$0x3], $0x3000, $0x38;
	[tilespmem:$0x6600] =	vst v63  }
0x8b: {  	_ =	swait.ge [sflag:s19], $0x3000  }
0x8c: {  	[sflag:s19] =	ssyncset.done $0x0  }
0x8d: {  	s11 =	rddreg [dreg:$0xa];
	[sflag:s19] =	ssyncadd.s32 $0xFFFFD000  }
0x8e: {  	[tilespmem:s9], [sflag:$0x3] =	stream.strided.gather [hbm4b:s11+s17], $0x400, s18, s17, $0x38;
	[tilespmem:$0x6600] =	vst v63  }
0x8f: {  	_ =	swait.ge [sflag:s19], $0x400  }
0x90: {  	[sflag:s19] =	ssyncset.done $0x0  }
0x91: {  	[sflag:s19] =	ssyncadd.s32 $0xFFFFFC00  }
0x92: {  	v7 =	vld [tilespmem:s9+$0x0];
	_ =	sdelay $0x3  }
0x93: {  	v8 =	vor.u32 s9, v0  }
0x94: {  	(xrf1) =	vsort.ascd.msk.f32 $0xffff, v7, v8;
	_ =	sdelay $0xa  }
0x95: {  	s11 =	simm.s32 $0x10  }
0x96: {  	v7 =	vld [tilespmem:s11+$0x0];
	_ =	sdelay $0x1  }
0x97: {  	v8, v59, _ =	vpop (xrf1)  }
0x98: {  	v8 =	vperm.xlane v8, v3  }
0x99: {  	v10 =	vimm.f32 $-2.000000000e+00;
	v60 =	vor.u32 s11, v0;
	v9 =	vperm.xlane v59, v3  }
0x9a: {  	v61 =	vimm.f32 $2.000000000e+00;
	v62 =	vimm.s32 $0x0;
	(xrf1) =	vsort.ascd.msk.f32 $0xffff, v7, v60;
	vm1 =	vge.f32 v10, v8  }
0x9b: {  	v7 =	vsel vm1, v10, v8;
	v63 =	vsel vm1, v62, v9;
	vm1 =	vle.f32 v61, v8  }
0x9c: {  	v8 =	vsel vm1, v61, v8;
	v9 =	vsel vm1, v62, v9;
	(xrf1) =	vsort.ascd.msk.f32 $0xffff, v7, v63  }
0x9d: {  	(xrf1) =	vsort.ascd.msk.f32 $0xffff, v8, v9;
	_ =	sdelay $0x7  }
0x9e: {  	s9 =	simm.s32 $0x20  }
0x9f: {  	v7 =	vld [tilespmem:s9+$0x0]  }
0xa0: {  	s10 =	simm.s32 $0x30;
	s11 =	simm.s32 $0x20  }
.LBB2_4:
0xa1: {  	p0 =	sne.s32 s10, $0x3F0;
	v8, v9, _ =	vpop (xrf1)  }
0xa2: {  	v8 =	vperm.xlane v8, v3  }
0xa3: {  	v13 =	vor.u32 s9, v0;
	s9 =	smov.u32 s10;
	v9 =	vperm.xlane v9, v3;
	v11, v12, _ =	vpop (xrf1)  }
0xa4: {  	(xrf1) =	vsort.ascd.msk.f32 $0xffff, v7, v13;
	vm1 =	vge.f32 v11, v8;
	v7, v10, _ =	vpop (xrf1)  }
0xa5: {  	v11 =	vsel vm1, v11, v8;
	v12 =	vsel vm1, v12, v9;
	vm1 =	vle.f32 v7, v8  }
0xa6: {  	v7 =	vsel vm1, v7, v8;
	v8 =	vsel vm1, v10, v9;
	(xrf1) =	vsort.ascd.msk.f32 $0xffff, v11, v12  }
0xa7: {  	(xrf1) =	vsort.ascd.msk.f32 $0xffff, v7, v8;
	_ =	sdelay $0x5  }
.Ltmp1:
0xa8: {  	(pc) =	sbr.rel @p0 .LBB2_4-.Ltmp1, $4  }
0xa9: {  	_ = 	snop  }
0xaa: {  	s11 =	sadd.s32 $0x10, s11  }
0xab: {  	v7 =	vld [tilespmem:s11+$0x0]  }
0xac: {  	s10 =	sadd.s32 $0x10, s10  }
0xad: {  	v8, v9, _ =	vpop (xrf1)  }
0xae: {  	v8 =	vperm.xlane v8, v3  }
0xaf: {  	v10 =	vor.u32 s9, v0;
	v9 =	vperm.xlane v9, v3;
	v11, v12, _ =	vpop (xrf1)  }
0xb0: {  	(xrf1) =	vsort.ascd.msk.f32 $0xffff, v7, v10;
	vm1 =	vge.f32 v11, v8  }
0xb1: {  	v7 =	vsel vm1, v11, v8;
	v58 =	vsel vm1, v12, v9  }
0xb2: {  	(xrf1) =	vsort.ascd.msk.f32 $0xffff, v7, v58;
	_ =	sdelay $0xa  }
0xb3: {  	v7, v10, _ =	vpop (xrf1)  }
0xb4: {  	v59, v60, _ =	vpop (xrf1)  }
0xb5: {  	v11 =	vperm.xlane v59, v3  }
0xb6: {  	vm1 =	vle.f32 v7, v8;
	v12 =	vperm.xlane v60, v3;
	v13, v14, _ =	vpop (xrf1)  }
0xb7: {  	v7 =	vsel vm1, v7, v8;
	v8 =	vsel vm1, v10, v9;
	vm1 =	vge.f32 v13, v11  }
0xb8: {  	(xrf1) =	vsort.ascd.msk.f32 $0xffff, v7, v8;
	v7 =	vsel vm1, v13, v11;
	v8 =	vsel vm1, v14, v12  }
0xb9: {  	(xrf1) =	vsort.ascd.msk.f32 $0xffff, v7, v8;
	_ =	sdelay $0xc  }
0xba: {  	v7, v8, _ =	vpop (xrf1)  }
0xbb: {  	v9, v10, _ =	vpop (xrf1)  }
0xbc: {  	v9 =	vperm.xlane v10, v3  }
0xbd: {  	vm1 =	vle.f32 v7, v11  }
0xbe: {  	v7 =	vsel vm1, v7, v11;
	v8 =	vsel vm1, v8, v12;
	v10 =	vadd.s32 v2, v9  }
0xbf: {  	(xrf1) =	vsort.ascd.msk.f32 $0xffff, v7, v8;
	[tilespmem:$0x500] =	vst v10  }
0xc0: {  	v7 =	vld [tilespmem:$0x500];
	_ =	sdelay $0x4  }
0xc1: {  	v8 =	vshrl.u32 v7, $0x3  }
0xc2: {  	v8 =	vmul.u32 $0x30, v8  }
0xc3: {  	v7 =	vand.u32 $0x7, v7  }
0xc4: {  	v7 =	vor.u32 v7, v8  }
0xc5: {  	v8 =	vperm.xlane v7, v4;
	_ =	sdelay $0x1  }
0xc6: {  	v8 =	vadd.s32 v5, v8;
	_ =	sdelay $0x1  }
0xc7: {  	[tilespmem:$0x400] =	vst v9;
	v62, v61, _ =	vpop (xrf1)  }
0xc8: {  	[tilespmem:$0x480] =	vst v61;
	v63 =	vadd.s32 v2, v61  }
0xc9: {  	[tilespmem:$0x580] =	vst v63;
	v7 =	vperm.xlane v7, v6  }
0xca: {  	[tilespmem:s20], [sflag:$0x1] =	stream.indirect_vreg.gather [hbm4b:s1+s3], $0x80, v8, vm0, $0xb8;
	[tilespmem:$0x6600] =	vst v63  }
0xcb: {  	v7 =	vadd.s32 v5, v7  }
0xcc: {  	[tilespmem:s21], [sflag:$0x1] =	stream.indirect_vreg.gather [hbm4b:s5+s3], $0x80, v8, vm0, $0xb8;
	[tilespmem:$0x6600] =	vst v63  }
0xcd: {  	_ = 	snop  }
0xce: {  	[tilespmem:s22], [sflag:$0x1] =	stream.indirect_vreg.gather [hbm4b:s6+s3], $0x80, v8, vm0, $0xb8;
	[tilespmem:$0x6600] =	vst v63  }
0xcf: {  	_ = 	snop  }
0xd0: {  	[tilespmem:s23], [sflag:$0x1] =	stream.indirect_vreg.gather [hbm4b:s1+s3], $0x80, v7, vm0, $0xb8;
	[tilespmem:$0x6600] =	vst v63  }
0xd1: {  	_ = 	snop  }
0xd2: {  	[tilespmem:s24], [sflag:$0x1] =	stream.indirect_vreg.gather [hbm4b:s5+s3], $0x80, v7, vm0, $0xb8;
	[tilespmem:$0x6600] =	vst v63  }
0xd3: {  	_ = 	snop  }
0xd4: {  	[tilespmem:s25], [sflag:$0x1] =	stream.indirect_vreg.gather [hbm4b:s6+s3], $0x80, v7, vm0, $0xb8;
	[tilespmem:$0x6600] =	vst v63  }
0xd5: {  	v7 =	vld [tilespmem:$0x580];
	_ =	sdelay $0x4  }
0xd6: {  	v8 =	vshrl.u32 v7, $0x3  }
0xd7: {  	v8 =	vmul.u32 $0x30, v8  }
0xd8: {  	v7 =	vand.u32 $0x7, v7  }
0xd9: {  	v7 =	vor.u32 v7, v8  }
0xda: {  	v8 =	vperm.xlane v7, v4;
	_ =	sdelay $0x1  }
0xdb: {  	v8 =	vadd.s32 v5, v8;
	_ =	sdelay $0x3  }
0xdc: {  	v7 =	vperm.xlane v7, v6  }
0xdd: {  	[tilespmem:s26], [sflag:$0x2] =	stream.indirect_vreg.gather [hbm4b:s1+s3], $0x80, v8, vm0, $0xb8;
	[tilespmem:$0x6600] =	vst v63  }
0xde: {  	v7 =	vadd.s32 v5, v7  }
0xdf: {  	[tilespmem:s28], [sflag:$0x2] =	stream.indirect_vreg.gather [hbm4b:s5+s3], $0x80, v8, vm0, $0xb8;
	[tilespmem:$0x6600] =	vst v63  }
0xe0: {  	_ = 	snop  }
0xe1: {  	[tilespmem:s29], [sflag:$0x2] =	stream.indirect_vreg.gather [hbm4b:s6+s3], $0x80, v8, vm0, $0xb8;
	[tilespmem:$0x6600] =	vst v63  }
0xe2: {  	_ = 	snop  }
0xe3: {  	[tilespmem:s30], [sflag:$0x2] =	stream.indirect_vreg.gather [hbm4b:s1+s3], $0x80, v7, vm0, $0xb8;
	[tilespmem:$0x6600] =	vst v63  }
0xe4: {  	_ = 	snop  }
0xe5: {  	[tilespmem:s31], [sflag:$0x2] =	stream.indirect_vreg.gather [hbm4b:s5+s3], $0x80, v7, vm0, $0xb8;
	[tilespmem:$0x6600] =	vst v63  }
0xe6: {  	_ = 	snop  }
0xe7: {  	[tilespmem:s2], [sflag:$0x2] =	stream.indirect_vreg.gather [hbm4b:s6+s3], $0x80, v7, vm0, $0xb8;
	[tilespmem:$0x6600] =	vst v63  }
0xe8: {  	_ = 	snop  }
0xe9: {  	[hbm4b:s12+s3] =	stream.linear.scatter [tilespmem:s18], [sflag:$0x3], $0x80, $0x38;
	[tilespmem:$0x6600] =	vst v63  }
0xea: {  	_ =	swait.ge [sflag:s19], $0x80  }
0xeb: {  	[sflag:s19] =	ssyncset.done $0x0  }
0xec: {  	[sflag:s19] =	ssyncadd.s32 $0xFFFFFF80  }
0xed: {  	[hbm4b:s13+s3] =	stream.linear.scatter [tilespmem:s0], [sflag:$0x3], $0x80, $0x38;
	[tilespmem:$0x6600] =	vst v63  }
0xee: {  	_ =	swait.ge [sflag:s19], $0x80  }
0xef: {  	[sflag:s19] =	ssyncset.done $0x0  }
0xf0: {  	[sflag:s19] =	ssyncadd.s32 $0xFFFFFF80  }
0xf1: {  	_ =	swait.ge [sflag:s4], $0x3000  }
0xf2: {  	[sflag:s4] =	ssyncset.done $0x0  }
0xf3: {  	[sflag:s4] =	ssyncadd.s32 $0xFFFFD000  }
0xf4: {  	_ =	swait.ge [sflag:s7], $0x3000  }
0xf5: {  	[sflag:s7] =	ssyncset.done $0x0  }
0xf6: {  	[sflag:s7] =	ssyncadd.s32 $0xFFFFD000  }
0xf7: {  	[hbm4b:s14+s3] =	stream.linear.scatter [tilespmem:s20], [sflag:$0x3], $0x3000, $0x38;
	[tilespmem:$0x6600] =	vst v63  }
0xf8: {  	s8 =	sadd.s32 $0x1, s8;
	_ =	swait.ge [sflag:s19], $0x3000  }
0xf9: {  	p0 =	sne.s32 s8, s16;
	[sflag:s19] =	ssyncset.done $0x0  }
.Ltmp2:
0xfa: {  	[sflag:s19] =	ssyncadd.s32 $0xFFFFD000;
	(pc) =	sbr.rel @p0 .LBB2_1-.Ltmp2, $4  }
0xfb: {  	[hbm4b:s15+s3] =	stream.linear.scatter [tilespmem:s26], [sflag:$0x3], $0x3000, $0x38;
	[tilespmem:$0x6600] =	vst v63  }
0xfc: {  	_ =	swait.ge [sflag:s19], $0x3000  }
0xfd: {  	[sflag:s19] =	ssyncset.done $0x0  }
0xfe: {  	[sflag:s19] =	ssyncadd.s32 $0xFFFFD000  }
0xff: {  	_ =	sfence.sel $0x180000  }
0x100: {  	[bflag:$0x0] =	sbarrier.arrive $0xFFFF  }
0x101: {  	_ =	strace $0x90000047  }
0x102: {  	s0 =	stileid.u32;
	[bflag:$0x2] =	sbarrier.arrive $0xFFFF  }
0x103: {  	p0 =	sne.s32 s0, $0x0;
	s0 =	rddreg [dreg:$0x4]  }
0x104: {  	s0 =	sadd.s32 @!p0 $0x100000, s0  }
0x105: {  	[sflag:s0] =	ssyncadd.tile.s32 @!p0 $0x1;
	_ =	shalt  }
.Lfunc_end2:
_tile_overlayer_lowered:
.L_overlay_start_2:
0x106: {  	(tag) =	ssettag $0x2  }
0x107: {  	s0 =	rddreg [dreg:$0x0];
	s2 =	stileid.u32  }
0x108: {  	s1 =	rddreg [dreg:$0x1];
	p0 =	sne.s32 s2, $0x0  }
0x109: {  	s3 =	rddreg [dreg:$0x2];
	[bflag:$0x3] =	sbarrier.arrive $0xFFFF;
	s2 =	simm.s32 @!p0 $0x1C03  }
0x10a: {  	[timem:s3], [sflag:s2] =	dma.local @!p0 [hbm:s0], s1  }
0x10b: {  	s0 =	simm.s32 @!p0 $0x3  }
0x10c: {  	_ =	swait.ge @!p0 [sflag:s0], s1  }
0x10d: {  	s1 =	ssub.s32 @!p0 $0x0, s1;
	[sflag:s0] =	ssyncset.done @!p0 $0x0  }
0x10e: {  	[sflag:s0] =	ssyncadd.s32 @!p0 s1  }
0x10f: {  	[bflag:$0x3] =	sbarrier.arrive $0xFFFF  }
0x110: {  	_ =	shalt  }

</sc_bundles>
